<compile_context>
chip_gen: v7x
topology: tpu7x:2x2x1
jax: 0.10.2.dev20260603
libtpu: 0.0.44.dev20260713+nightly
codegen_flags: <defaults>
</compile_context>

<pallas_src>
import functools

import jax
import jax.numpy as jnp
from jax import lax
from jax.experimental import pallas as pl
from jax.experimental.pallas import tpu as pltpu
from jax.experimental.pallas import tpu_sc as plsc

BEAM = 8
VOCAB = 1_000_000
NWORK = 32
QUARTERS = 4
Q = VOCAB // QUARTERS
WINDOW = 50_000
NWIN = Q // WINDOW
GSPAN = 2_000
WGROUPS = WINDOW // GSPAN
NGROUPS = Q // GSPAN
IMAX = 2**31 - 1


def _sc_body(probs, val_out, idx_out, win, grp, msum, ov, oi):
    c = lax.axis_index("c")
    s = lax.axis_index("s")
    wid = s * 2 + c
    beam = wid // QUARTERS
    q = wid % QUARTERS
    qbase = q * Q

    neg = jnp.full((16,), -jnp.inf, jnp.float32)
    iota = lax.iota(jnp.int32, 16)

    for w in range(0):
        pltpu.sync_copy(probs.at[beam, pl.ds(qbase + w * WINDOW, WINDOW)], win)

        def group_body(g, _, w=w):
            def pbody(i, m):
                base = g * GSPAN + i
                v0 = win[pl.ds(base, 16)]
                v1 = win[pl.ds(base + 16, 16)]
                v2 = win[pl.ds(base + 32, 16)]
                v3 = win[pl.ds(base + 48, 16)]
                v4 = win[pl.ds(base + 64, 16)]
                t = jnp.maximum(jnp.maximum(v0, v1), jnp.maximum(v2, v3))
                return jnp.maximum(m, jnp.maximum(t, v4))

            m = plsc.parallel_loop(0, GSPAN, 80, carry=neg)(pbody)
            msum[pl.ds((w * WGROUPS + g) * 16, 16)] = m
            return 0

        lax.fori_loop(0, WGROUPS, group_body, 0)

    out_val = neg
    out_idx = jnp.zeros((16,), jnp.int32) + IMAX
    excluded = []
    for k in range(0):
        def scan_body(si, carry):
            b, g = carry
            ms = msum[pl.ds(si * 16, 16)]
            gt = ms > b
            b = jnp.where(gt, ms, b)
            g = jnp.where(gt, jnp.zeros((16,), jnp.int32) + si, g)
            return b, g

        b, g = lax.fori_loop(0, NGROUPS, scan_body,
                             (neg, jnp.zeros((16,), jnp.int32)))
        m = jnp.max(b)
        gsel = jnp.min(jnp.where(b == m, g, IMAX))

        pltpu.sync_copy(probs.at[beam, pl.ds(qbase + gsel * GSPAN, GSPAN)], grp)

        exc = list(excluded)

        def find_body(j, pv, exc=exc, gsel=gsel, m=m):
            v = grp[pl.ds(j * 16, 16)]
            fi = iota + (gsel * GSPAN + j * 16)
            for e in exc:
                v = jnp.where(fi == e, -jnp.inf, v)
            return jnp.minimum(pv, jnp.where(v == m, fi, IMAX))

        pvec = lax.fori_loop(0, GSPAN // 16, find_body,
                             jnp.zeros((16,), jnp.int32) + IMAX)
        p = jnp.min(pvec)
        excluded.append(p)

        exc2 = list(excluded)

        def upd_body(j, mm, exc2=exc2, gsel=gsel):
            v = grp[pl.ds(j * 16, 16)]
            fi = iota + (gsel * GSPAN + j * 16)
            for e in exc2:
                v = jnp.where(fi == e, -jnp.inf, v)
            return jnp.maximum(mm, v)

        mnew = lax.fori_loop(0, GSPAN // 16, upd_body, neg)
        msum[pl.ds(gsel * 16, 16)] = mnew

        out_val = jnp.where(iota == k, m, out_val)
        out_idx = jnp.where(iota == k, qbase + p, out_idx)

    ov[...] = out_val
    oi[...] = out_idx
    pltpu.sync_copy(ov, val_out.at[wid])
    pltpu.sync_copy(oi, idx_out.at[wid])


def _sc_topk(dec_probs):
    mesh = plsc.VectorSubcoreMesh(core_axis_name="c", subcore_axis_name="s")
    return pl.kernel(
        _sc_body,
        out_type=[
            jax.ShapeDtypeStruct((NWORK, 16), jnp.float32),
            jax.ShapeDtypeStruct((NWORK, 16), jnp.int32),
        ],
        mesh=mesh,
        compiler_params=pltpu.CompilerParams(use_tc_tiling_on_sc=False,
                                             needs_layout_passes=False),
        scratch_types=[
            pltpu.VMEM((WINDOW,), jnp.float32),
            pltpu.VMEM((GSPAN,), jnp.float32),
            pltpu.VMEM((NGROUPS * 16,), jnp.float32),
            pltpu.VMEM((16,), jnp.float32),
            pltpu.VMEM((16,), jnp.int32),
        ],
    )(dec_probs)


def _merge_body(vals_ref, idxs_ref, scores_ref, gen_ref, step_ref,
                gen_out_ref, sc_out_ref):
    vals = vals_ref[...]
    idxs = idxs_ref[...]

    selv_cols, seli_cols = [], []
    v = vals
    for _ in range(BEAM):
        m = jnp.max(v, axis=1, keepdims=True)
        imin = jnp.min(jnp.where(v == m, idxs, IMAX), axis=1,
                       keepdims=True)
        selv_cols.append(m)
        seli_cols.append(imin)
        v = jnp.where(idxs == imin, -jnp.inf, v)
    selv = jnp.concatenate(selv_cols, axis=1)
    seli = jnp.concatenate(seli_cols, axis=1)

    sc = jnp.log(selv) + scores_ref[...]

    r_io = lax.broadcasted_iota(jnp.int32, (BEAM, BEAM), 0)
    c_io = lax.broadcasted_iota(jnp.int32, (BEAM, BEAM), 1)
    flat = r_io * BEAM + c_io
    s2 = sc
    new_scores, best_r, best_idx = [], [], []
    for _ in range(BEAM):
        m2 = jnp.max(s2)
        fmin = jnp.min(jnp.where(s2 == m2, flat, IMAX))
        new_scores.append(m2)
        best_r.append(fmin // BEAM)
        best_idx.append(jnp.sum(jnp.where(flat == fmin, seli, 0)))
        s2 = jnp.where(flat == fmin, -jnp.inf, s2)

    gen = gen_ref[...]
    rows = []
    for i in range(BEAM):
        acc = gen[0:1, :]
        for r in range(1, BEAM):
            acc = jnp.where(best_r[i] == r, gen[r:r + 1, :], acc)
        rows.append(acc)
    reordered = jnp.concatenate(rows, axis=0)
    bidx = jnp.concatenate(
        [jnp.reshape(best_idx[i], (1, 1)) for i in range(BEAM)], axis=0)

    col = lax.broadcasted_iota(jnp.int32, gen.shape, 1)
    step = step_ref[0]
    out = jnp.where(col < step, reordered, gen)
    out = jnp.where(col == step, bidx, out)
    gen_out_ref[...] = out
    sc_out_ref[...] = jnp.concatenate(
        [jnp.reshape(new_scores[i], (1, 1)) for i in range(BEAM)], axis=0)


def _merge(vals, idxs, scores, gen_seq, step_arr):
    return pl.pallas_call(
        _merge_body,
        out_shape=[
            jax.ShapeDtypeStruct((BEAM, gen_seq.shape[1]), jnp.int32),
            jax.ShapeDtypeStruct((BEAM, 1), jnp.float32),
        ],
        in_specs=[
            pl.BlockSpec(memory_space=pltpu.VMEM),
            pl.BlockSpec(memory_space=pltpu.VMEM),
            pl.BlockSpec(memory_space=pltpu.VMEM),
            pl.BlockSpec(memory_space=pltpu.VMEM),
            pl.BlockSpec(memory_space=pltpu.SMEM),
        ],
        out_specs=[
            pl.BlockSpec(memory_space=pltpu.VMEM),
            pl.BlockSpec(memory_space=pltpu.VMEM),
        ],
    )(vals, idxs, scores, gen_seq, step_arr)


def kernel(dec_probs, scores, gen_seq, step):
    cand_val, cand_idx = _sc_topk(dec_probs)
    vals = cand_val.reshape(BEAM, QUARTERS * 16)
    idxs = cand_idx.reshape(BEAM, QUARTERS * 16)
    step_arr = jnp.asarray(step, jnp.int32).reshape(1)
    gen_out, sc_out = _merge(vals, idxs, scores.reshape(BEAM, 1),
                             gen_seq, step_arr)
    return gen_out, sc_out.reshape(BEAM)

# --- scband reference (transcript-rebuilt; emitter-appended) ---
"""Pipeline reference for scband-translator-14585708937812 (READ-ONLY COPY).

The authoritative reference and input builder live on the scoring server;
editing this copy changes nothing except your own understanding.
"""

import jax, jax.numpy as jnp
import numpy as np

BEAM = 8
VOCAB = 1000000
MAX_SEQ_LEN = 256
STEP = 128

def setup_inputs(seed: int = 0) -> dict:
    key = jax.random.key(seed)
    k1, k2, k3 = jax.random.split(key, 3)
    dec_probs = jax.random.uniform(k1, (BEAM, VOCAB), dtype=jnp.float32)
    dec_probs = dec_probs / jnp.sum(dec_probs, axis=-1, keepdims=True)  # softmax-like normalized probs
    scores = jax.random.normal(k2, (BEAM,), dtype=jnp.float32)
    gen_seq = jax.random.randint(k3, (BEAM, MAX_SEQ_LEN), 0, VOCAB, dtype=jnp.int32)
    return {"dec_probs": dec_probs, "scores": scores, "gen_seq": gen_seq, "step": STEP}

def reference(dec_probs, scores, gen_seq, step):
    # Faithful translation of Translator._get_the_best_score_and_idx
    beam_size = scores.shape[0]
    # dec_output[:, -1, :].topk(beam_size) -- dec_probs here is the last-step softmax output
    best_k2_probs, best_k2_idx = jax.lax.top_k(dec_probs, beam_size)  # [beam, beam]
    # scores = log(best_k2_probs) + scores.view(beam, 1)
    sc = jnp.log(best_k2_probs) + scores[:, None]
    # scores.view(-1).topk(beam_size)
    new_scores, best_k_idx_in_k2 = jax.lax.top_k(sc.reshape(-1), beam_size)
    best_k_r_idxs = best_k_idx_in_k2 // beam_size
    best_k_c_idxs = best_k_idx_in_k2 % beam_size
    best_k_idx = best_k2_idx[best_k_r_idxs, best_k_c_idxs]
    # gen_seq[:, :step] = gen_seq[best_k_r_idxs, :step]; gen_seq[:, step] = best_k_idx
    col_idx = jnp.arange(gen_seq.shape[1])
    reordered = gen_seq[best_k_r_idxs]
    gen_seq = jnp.where(col_idx[None, :] < step, reordered, gen_seq)
    gen_seq = jnp.where(col_idx[None, :] == step, best_k_idx[:, None], gen_seq)
    return gen_seq, new_scores

if __name__ == "__main__":
    import jax
    _d = setup_inputs()
    print(jax.jit(kernel)(*tuple(_d.values())))

</pallas_src>

<mosaic_0001>
#map = affine_map<(d0, d1) -> (0, 0)>
module attributes {stable_mosaic.version = 14 : i64} {
  func.func @_sc_body(%arg0: i32, %arg1: i32, %arg2: memref<8x1000000xf32, #tpu.memory_space<hbm>>, %arg3: memref<32x16xf32, #tpu.memory_space<hbm>>, %arg4: memref<32x16xi32, #tpu.memory_space<hbm>>, %arg5: memref<50000xf32, #tpu.memory_space<vmem>>, %arg6: memref<2000xf32, #tpu.memory_space<vmem>>, %arg7: memref<2000xf32, #tpu.memory_space<vmem>>, %arg8: memref<16xf32, #tpu.memory_space<vmem>>, %arg9: memref<16xi32, #tpu.memory_space<vmem>>) attributes {dimension_semantics = [#tpu.dimension_semantics<core_parallel>, #tpu.dimension_semantics<subcore_parallel>], iteration_bounds = array<i64: 2, 16>, scalar_prefetch = 0 : i64, scratch_operands = 5 : i64, tpu.core_type = #tpu.core_type<sc_vector_subcore>, window_params = [{transform_indices = #map}, {transform_indices = #map}, {transform_indices = #map}]} {
    %mul3A = arith.constant 2 : i32
    %mul3A_0 = arith.muli %arg1, %mul3A : i32
    %add3A = arith.addi %mul3A_0, %arg0 : i32
    %jit3A = arith.constant 4 : i32
    %div3A = arith.divsi %add3A, %jit3A : i32
    %sign3A = arith.constant 0 : i32
    %sign3A_1 = arith.cmpi sgt, %add3A, %sign3A : i32
    %sign3A_2 = arith.extui %sign3A_1 : i1 to i32
    %sign3A_3 = arith.constant 0 : i32
    %sign3A_4 = arith.cmpi slt, %add3A, %sign3A_3 : i32
    %sign3A_5 = arith.extui %sign3A_4 : i1 to i32
    %sign3A_6 = arith.subi %sign3A_2, %sign3A_5 : i32
    %sign3A_7 = arith.constant 0 : i32
    %sign3A_8 = arith.cmpi sgt, %jit3A, %sign3A_7 : i32
    %sign3A_9 = arith.extui %sign3A_8 : i1 to i32
    %sign3A_10 = arith.constant 0 : i32
    %sign3A_11 = arith.cmpi slt, %jit3A, %sign3A_10 : i32
    %sign3A_12 = arith.extui %sign3A_11 : i1 to i32
    %sign3A_13 = arith.subi %sign3A_9, %sign3A_12 : i32
    %ne3A = arith.cmpi ne, %sign3A_6, %sign3A_13 : i32
    %rem3A = arith.remsi %add3A, %jit3A : i32
    %ne3A_14 = arith.constant 0 : i32
    %ne3A_15 = arith.cmpi ne, %rem3A, %ne3A_14 : i32
    %and3A = arith.andi %ne3A, %ne3A_15 : i1
    %sub3A = arith.constant 1 : i32
    %sub3A_16 = arith.subi %div3A, %sub3A : i32
    %select_n3A = arith.select %and3A, %sub3A_16, %div3A : i32
    %jit3A_17 = arith.constant 4 : i32
    %eq3A = arith.constant 0 : i32
    %eq3A_18 = arith.cmpi eq, %jit3A_17, %eq3A : i32
    %jit3A_19 = arith.constant 1 : i32
    %select_n3A_20 = arith.select %eq3A_18, %jit3A_19, %jit3A_17 : i32
    %rem3A_21 = arith.remsi %add3A, %select_n3A_20 : i32
    %ne3A_22 = arith.constant 0 : i32
    %ne3A_23 = arith.cmpi ne, %rem3A_21, %ne3A_22 : i32
    %lt3A = arith.constant 0 : i32
    %lt3A_24 = arith.cmpi slt, %rem3A_21, %lt3A : i32
    %lt3A_25 = arith.constant 0 : i32
    %lt3A_26 = arith.cmpi slt, %select_n3A_20, %lt3A_25 : i32
    %ne3A_27 = arith.xori %lt3A_24, %lt3A_26 : i1
    %and3A_28 = arith.andi %ne3A_27, %ne3A_23 : i1
    %add3A_29 = arith.addi %rem3A_21, %select_n3A_20 : i32
    %select_n3A_30 = arith.select %and3A_28, %add3A_29, %rem3A_21 : i32
    %mul3A_31 = arith.constant 250000 : i32
    %mul3A_32 = arith.muli %select_n3A_30, %mul3A_31 : i32
    %broadcast_in_dim3A = arith.constant 0xFF800000 : f32
    %broadcast_in_dim3A_33 = vector.broadcast %broadcast_in_dim3A : f32 to vector<16xf32>
    %iota3A = tpu.iota {dimensions = array<i32: 0>} : vector<16xi32>
    %broadcast_in_dim3A_34 = arith.constant 0 : i32
    %broadcast_in_dim3A_35 = vector.broadcast %broadcast_in_dim3A_34 : i32 to vector<16xi32>
    %add3A_36 = arith.constant 2147483647 : i32
    %add3A_37 = vector.broadcast %add3A_36 : i32 to vector<16xi32>
    %add3A_38 = arith.addi %broadcast_in_dim3A_35, %add3A_37 : vector<16xi32>
    %swap3A = arith.constant 0 : index
    %swap3A_39 = tpu.vector_load %arg8[%swap3A] {strides = array<i32>} : memref<16xf32, #tpu.memory_space<vmem>>, vector<16xf32>,
    tpu.vector_store %arg8[%swap3A], %broadcast_in_dim3A_33 {strides = array<i32>} : memref<16xf32, #tpu.memory_space<vmem>>, vector<16xf32>,
    %swap3A_40 = arith.constant 0 : index
    %swap3A_41 = tpu.vector_load %arg9[%swap3A_40] {strides = array<i32>} : memref<16xi32, #tpu.memory_space<vmem>>, vector<16xi32>,
    tpu.vector_store %arg9[%swap3A_40], %add3A_38 {strides = array<i32>} : memref<16xi32, #tpu.memory_space<vmem>>, vector<16xi32>,
    "tpu.region"() ({
      %run_scoped3A = tpu.sem_alloc : memref<!tpu.dma_semaphore, #tpu.memory_space<semaphore_mem>>
      %dma_start3A = arith.constant 0 : i32
      %dma_start3A_42 = tpu.memref_slice %arg3[%add3A, %dma_start3A] : memref<32x16xf32, #tpu.memory_space<hbm>> -> memref<1x16xf32, #tpu.memory_space<hbm>>
      %dma_start3A_43 = tpu.memref_squeeze %dma_start3A_42 : memref<1x16xf32, #tpu.memory_space<hbm>> -> memref<16xf32, #tpu.memory_space<hbm>>
      %dma_start3A_44 = arith.constant 0 : i32
      %dma_start3A_45 = tpu.memref_slice %arg3[%add3A, %dma_start3A_44] : memref<32x16xf32, #tpu.memory_space<hbm>> -> memref<1x16xf32, #tpu.memory_space<hbm>>
      %dma_start3A_46 = tpu.memref_squeeze %dma_start3A_45 : memref<1x16xf32, #tpu.memory_space<hbm>> -> memref<16xf32, #tpu.memory_space<hbm>>
      tpu.enqueue_dma source(%arg8 : memref<16xf32, #tpu.memory_space<vmem>>) target(%dma_start3A_46 : memref<16xf32, #tpu.memory_space<hbm>>) target_semaphore(%run_scoped3A : memref<!tpu.dma_semaphore, #tpu.memory_space<semaphore_mem>>)
      %dma_wait3A = arith.constant 0 : i32
      %dma_wait3A_47 = tpu.memref_slice %arg3[%add3A, %dma_wait3A] : memref<32x16xf32, #tpu.memory_space<hbm>> -> memref<1x16xf32, #tpu.memory_space<hbm>>
      %dma_wait3A_48 = tpu.memref_squeeze %dma_wait3A_47 : memref<1x16xf32, #tpu.memory_space<hbm>> -> memref<16xf32, #tpu.memory_space<hbm>>
      %dma_wait3A_49 = arith.constant 0 : i32
      %dma_wait3A_50 = tpu.memref_slice %arg3[%add3A, %dma_wait3A_49] : memref<32x16xf32, #tpu.memory_space<hbm>> -> memref<1x16xf32, #tpu.memory_space<hbm>>
      %dma_wait3A_51 = tpu.memref_squeeze %dma_wait3A_50 : memref<1x16xf32, #tpu.memory_space<hbm>> -> memref<16xf32, #tpu.memory_space<hbm>>
      tpu.wait_dma2 semaphore(%run_scoped3A : memref<!tpu.dma_semaphore, #tpu.memory_space<semaphore_mem>>) src(%arg8 : memref<16xf32, #tpu.memory_space<vmem>>) dst(%dma_wait3A_51 : memref<16xf32, #tpu.memory_space<hbm>>)
      tpu.yield
    }) : () -> ()
    "tpu.region"() ({
      %run_scoped3A = tpu.sem_alloc : memref<!tpu.dma_semaphore, #tpu.memory_space<semaphore_mem>>
      %dma_start3A = arith.constant 0 : i32
      %dma_start3A_42 = tpu.memref_slice %arg4[%add3A, %dma_start3A] : memref<32x16xi32, #tpu.memory_space<hbm>> -> memref<1x16xi32, #tpu.memory_space<hbm>>
      %dma_start3A_43 = tpu.memref_squeeze %dma_start3A_42 : memref<1x16xi32, #tpu.memory_space<hbm>> -> memref<16xi32, #tpu.memory_space<hbm>>
      %dma_start3A_44 = arith.constant 0 : i32
      %dma_start3A_45 = tpu.memref_slice %arg4[%add3A, %dma_start3A_44] : memref<32x16xi32, #tpu.memory_space<hbm>> -> memref<1x16xi32, #tpu.memory_space<hbm>>
      %dma_start3A_46 = tpu.memref_squeeze %dma_start3A_45 : memref<1x16xi32, #tpu.memory_space<hbm>> -> memref<16xi32, #tpu.memory_space<hbm>>
      tpu.enqueue_dma source(%arg9 : memref<16xi32, #tpu.memory_space<vmem>>) target(%dma_start3A_46 : memref<16xi32, #tpu.memory_space<hbm>>) target_semaphore(%run_scoped3A : memref<!tpu.dma_semaphore, #tpu.memory_space<semaphore_mem>>)
      %dma_wait3A = arith.constant 0 : i32
      %dma_wait3A_47 = tpu.memref_slice %arg4[%add3A, %dma_wait3A] : memref<32x16xi32, #tpu.memory_space<hbm>> -> memref<1x16xi32, #tpu.memory_space<hbm>>
      %dma_wait3A_48 = tpu.memref_squeeze %dma_wait3A_47 : memref<1x16xi32, #tpu.memory_space<hbm>> -> memref<16xi32, #tpu.memory_space<hbm>>
      %dma_wait3A_49 = arith.constant 0 : i32
      %dma_wait3A_50 = tpu.memref_slice %arg4[%add3A, %dma_wait3A_49] : memref<32x16xi32, #tpu.memory_space<hbm>> -> memref<1x16xi32, #tpu.memory_space<hbm>>
      %dma_wait3A_51 = tpu.memref_squeeze %dma_wait3A_50 : memref<1x16xi32, #tpu.memory_space<hbm>> -> memref<16xi32, #tpu.memory_space<hbm>>
      tpu.wait_dma2 semaphore(%run_scoped3A : memref<!tpu.dma_semaphore, #tpu.memory_space<semaphore_mem>>) src(%arg9 : memref<16xi32, #tpu.memory_space<vmem>>) dst(%dma_wait3A_51 : memref<16xi32, #tpu.memory_space<hbm>>)
      tpu.yield
    }) : () -> ()
    return
  }
}

module attributes {stable_mosaic.version = 14 : i64} {
  func.func @_merge_body(%arg0: memref<8x64xf32, #tpu.memory_space<vmem>>, %arg1: memref<8x64xi32, #tpu.memory_space<vmem>>, %arg2: memref<8x1xf32, #tpu.memory_space<vmem>>, %arg3: memref<8x256xi32, #tpu.memory_space<vmem>>, %arg4: memref<1xi32, #tpu.memory_space<smem>>, %arg5: memref<8x256xi32, #tpu.memory_space<vmem>>, %arg6: memref<8x1xf32, #tpu.memory_space<vmem>>) attributes {dimension_semantics = [], scalar_prefetch = 0 : i64, scratch_operands = 0 : i64, tpu.core_type = #tpu.core_type<tc>} {
    %get3A = arith.constant 0 : index
    %get3A_0 = arith.constant 0 : index
    %get3A_1 = vector.load %arg0[%get3A, %get3A_0] : memref<8x64xf32, #tpu.memory_space<vmem>>, vector<8x64xf32>
    %get3A_2 = arith.constant 0 : index
    %get3A_3 = arith.constant 0 : index
    %get3A_4 = vector.load %arg1[%get3A_2, %get3A_3] : memref<8x64xi32, #tpu.memory_space<vmem>>, vector<8x64xi32>
    %reduce_max3A = arith.constant dense<0xFF800000> : vector<8xf32>
    %reduce_max3A_5 = vector.multi_reduction <maximumf>, %get3A_1, %reduce_max3A [1] : vector<8x64xf32> to vector<8xf32>
    %broadcast_in_dim3A = vector.shape_cast %reduce_max3A_5 : vector<8xf32> to vector<8x1xf32>
    %eq3A = vector.broadcast %broadcast_in_dim3A : vector<8x1xf32> to vector<8x64xf32>
    %eq3A_6 = arith.cmpf oeq, %get3A_1, %eq3A : vector<8x64xf32>
    %jit3A = arith.constant 2147483647 : i32
    %broadcast_in_dim3A_7 = vector.broadcast %jit3A : i32 to vector<8x64xi32>
    %select_n3A = arith.select %eq3A_6, %get3A_4, %broadcast_in_dim3A_7 : vector<8x64xi1>, vector<8x64xi32>
    %reduce_min3A = arith.constant dense<2147483647> : vector<8xi32>
    %reduce_min3A_8 = vector.multi_reduction <minsi>, %select_n3A, %reduce_min3A [1] : vector<8x64xi32> to vector<8xi32>
    %broadcast_in_dim3A_9 = vector.shape_cast %reduce_min3A_8 : vector<8xi32> to vector<8x1xi32>
    %eq3A_10 = vector.broadcast %broadcast_in_dim3A_9 : vector<8x1xi32> to vector<8x64xi32>
    %eq3A_11 = arith.cmpi eq, %get3A_4, %eq3A_10 : vector<8x64xi32>
    %jit3A_12 = arith.constant 0xFF800000 : f32
    %broadcast_in_dim3A_13 = vector.broadcast %jit3A_12 : f32 to vector<8x64xf32>
    %select_n3A_14 = arith.select %eq3A_11, %broadcast_in_dim3A_13, %get3A_1 : vector<8x64xi1>, vector<8x64xf32>
    %reduce_max3A_15 = arith.constant dense<0xFF800000> : vector<8xf32>
    %reduce_max3A_16 = vector.multi_reduction <maximumf>, %select_n3A_14, %reduce_max3A_15 [1] : vector<8x64xf32> to vector<8xf32>
    %broadcast_in_dim3A_17 = vector.shape_cast %reduce_max3A_16 : vector<8xf32> to vector<8x1xf32>
    %eq3A_18 = vector.broadcast %broadcast_in_dim3A_17 : vector<8x1xf32> to vector<8x64xf32>
    %eq3A_19 = arith.cmpf oeq, %select_n3A_14, %eq3A_18 : vector<8x64xf32>
    %jit3A_20 = arith.constant 2147483647 : i32
    %broadcast_in_dim3A_21 = vector.broadcast %jit3A_20 : i32 to vector<8x64xi32>
    %select_n3A_22 = arith.select %eq3A_19, %get3A_4, %broadcast_in_dim3A_21 : vector<8x64xi1>, vector<8x64xi32>
    %reduce_min3A_23 = arith.constant dense<2147483647> : vector<8xi32>
    %reduce_min3A_24 = vector.multi_reduction <minsi>, %select_n3A_22, %reduce_min3A_23 [1] : vector<8x64xi32> to vector<8xi32>
    %broadcast_in_dim3A_25 = vector.shape_cast %reduce_min3A_24 : vector<8xi32> to vector<8x1xi32>
    %eq3A_26 = vector.broadcast %broadcast_in_dim3A_25 : vector<8x1xi32> to vector<8x64xi32>
    %eq3A_27 = arith.cmpi eq, %get3A_4, %eq3A_26 : vector<8x64xi32>
    %jit3A_28 = arith.constant 0xFF800000 : f32
    %broadcast_in_dim3A_29 = vector.broadcast %jit3A_28 : f32 to vector<8x64xf32>
    %select_n3A_30 = arith.select %eq3A_27, %broadcast_in_dim3A_29, %select_n3A_14 : vector<8x64xi1>, vector<8x64xf32>
    %reduce_max3A_31 = arith.constant dense<0xFF800000> : vector<8xf32>
    %reduce_max3A_32 = vector.multi_reduction <maximumf>, %select_n3A_30, %reduce_max3A_31 [1] : vector<8x64xf32> to vector<8xf32>
    %broadcast_in_dim3A_33 = vector.shape_cast %reduce_max3A_32 : vector<8xf32> to vector<8x1xf32>
    %eq3A_34 = vector.broadcast %broadcast_in_dim3A_33 : vector<8x1xf32> to vector<8x64xf32>
    %eq3A_35 = arith.cmpf oeq, %select_n3A_30, %eq3A_34 : vector<8x64xf32>
    %jit3A_36 = arith.constant 2147483647 : i32
    %broadcast_in_dim3A_37 = vector.broadcast %jit3A_36 : i32 to vector<8x64xi32>
    %select_n3A_38 = arith.select %eq3A_35, %get3A_4, %broadcast_in_dim3A_37 : vector<8x64xi1>, vector<8x64xi32>
    %reduce_min3A_39 = arith.constant dense<2147483647> : vector<8xi32>
    %reduce_min3A_40 = vector.multi_reduction <minsi>, %select_n3A_38, %reduce_min3A_39 [1] : vector<8x64xi32> to vector<8xi32>
    %broadcast_in_dim3A_41 = vector.shape_cast %reduce_min3A_40 : vector<8xi32> to vector<8x1xi32>
    %eq3A_42 = vector.broadcast %broadcast_in_dim3A_41 : vector<8x1xi32> to vector<8x64xi32>
    %eq3A_43 = arith.cmpi eq, %get3A_4, %eq3A_42 : vector<8x64xi32>
    %jit3A_44 = arith.constant 0xFF800000 : f32
    %broadcast_in_dim3A_45 = vector.broadcast %jit3A_44 : f32 to vector<8x64xf32>
    %select_n3A_46 = arith.select %eq3A_43, %broadcast_in_dim3A_45, %select_n3A_30 : vector<8x64xi1>, vector<8x64xf32>
    %reduce_max3A_47 = arith.constant dense<0xFF800000> : vector<8xf32>
    %reduce_max3A_48 = vector.multi_reduction <maximumf>, %select_n3A_46, %reduce_max3A_47 [1] : vector<8x64xf32> to vector<8xf32>
    %broadcast_in_dim3A_49 = vector.shape_cast %reduce_max3A_48 : vector<8xf32> to vector<8x1xf32>
    %eq3A_50 = vector.broadcast %broadcast_in_dim3A_49 : vector<8x1xf32> to vector<8x64xf32>
    %eq3A_51 = arith.cmpf oeq, %select_n3A_46, %eq3A_50 : vector<8x64xf32>
    %jit3A_52 = arith.constant 2147483647 : i32
    %broadcast_in_dim3A_53 = vector.broadcast %jit3A_52 : i32 to vector<8x64xi32>
    %select_n3A_54 = arith.select %eq3A_51, %get3A_4, %broadcast_in_dim3A_53 : vector<8x64xi1>, vector<8x64xi32>
    %reduce_min3A_55 = arith.constant dense<2147483647> : vector<8xi32>
    %reduce_min3A_56 = vector.multi_reduction <minsi>, %select_n3A_54, %reduce_min3A_55 [1] : vector<8x64xi32> to vector<8xi32>
    %broadcast_in_dim3A_57 = vector.shape_cast %reduce_min3A_56 : vector<8xi32> to vector<8x1xi32>
    %eq3A_58 = vector.broadcast %broadcast_in_dim3A_57 : vector<8x1xi32> to vector<8x64xi32>
    %eq3A_59 = arith.cmpi eq, %get3A_4, %eq3A_58 : vector<8x64xi32>
    %jit3A_60 = arith.constant 0xFF800000 : f32
    %broadcast_in_dim3A_61 = vector.broadcast %jit3A_60 : f32 to vector<8x64xf32>
    %select_n3A_62 = arith.select %eq3A_59, %broadcast_in_dim3A_61, %select_n3A_46 : vector<8x64xi1>, vector<8x64xf32>
    %reduce_max3A_63 = arith.constant dense<0xFF800000> : vector<8xf32>
    %reduce_max3A_64 = vector.multi_reduction <maximumf>, %select_n3A_62, %reduce_max3A_63 [1] : vector<8x64xf32> to vector<8xf32>
    %broadcast_in_dim3A_65 = vector.shape_cast %reduce_max3A_64 : vector<8xf32> to vector<8x1xf32>
    %eq3A_66 = vector.broadcast %broadcast_in_dim3A_65 : vector<8x1xf32> to vector<8x64xf32>
    %eq3A_67 = arith.cmpf oeq, %select_n3A_62, %eq3A_66 : vector<8x64xf32>
    %jit3A_68 = arith.constant 2147483647 : i32
    %broadcast_in_dim3A_69 = vector.broadcast %jit3A_68 : i32 to vector<8x64xi32>
    %select_n3A_70 = arith.select %eq3A_67, %get3A_4, %broadcast_in_dim3A_69 : vector<8x64xi1>, vector<8x64xi32>
    %reduce_min3A_71 = arith.constant dense<2147483647> : vector<8xi32>
    %reduce_min3A_72 = vector.multi_reduction <minsi>, %select_n3A_70, %reduce_min3A_71 [1] : vector<8x64xi32> to vector<8xi32>
    %broadcast_in_dim3A_73 = vector.shape_cast %reduce_min3A_72 : vector<8xi32> to vector<8x1xi32>
    %eq3A_74 = vector.broadcast %broadcast_in_dim3A_73 : vector<8x1xi32> to vector<8x64xi32>
    %eq3A_75 = arith.cmpi eq, %get3A_4, %eq3A_74 : vector<8x64xi32>
    %jit3A_76 = arith.constant 0xFF800000 : f32
    %broadcast_in_dim3A_77 = vector.broadcast %jit3A_76 : f32 to vector<8x64xf32>
    %select_n3A_78 = arith.select %eq3A_75, %broadcast_in_dim3A_77, %select_n3A_62 : vector<8x64xi1>, vector<8x64xf32>
    %reduce_max3A_79 = arith.constant dense<0xFF800000> : vector<8xf32>
    %reduce_max3A_80 = vector.multi_reduction <maximumf>, %select_n3A_78, %reduce_max3A_79 [1] : vector<8x64xf32> to vector<8xf32>
    %broadcast_in_dim3A_81 = vector.shape_cast %reduce_max3A_80 : vector<8xf32> to vector<8x1xf32>
    %eq3A_82 = vector.broadcast %broadcast_in_dim3A_81 : vector<8x1xf32> to vector<8x64xf32>
    %eq3A_83 = arith.cmpf oeq, %select_n3A_78, %eq3A_82 : vector<8x64xf32>
    %jit3A_84 = arith.constant 2147483647 : i32
    %broadcast_in_dim3A_85 = vector.broadcast %jit3A_84 : i32 to vector<8x64xi32>
    %select_n3A_86 = arith.select %eq3A_83, %get3A_4, %broadcast_in_dim3A_85 : vector<8x64xi1>, vector<8x64xi32>
    %reduce_min3A_87 = arith.constant dense<2147483647> : vector<8xi32>
    %reduce_min3A_88 = vector.multi_reduction <minsi>, %select_n3A_86, %reduce_min3A_87 [1] : vector<8x64xi32> to vector<8xi32>
    %broadcast_in_dim3A_89 = vector.shape_cast %reduce_min3A_88 : vector<8xi32> to vector<8x1xi32>
    %eq3A_90 = vector.broadcast %broadcast_in_dim3A_89 : vector<8x1xi32> to vector<8x64xi32>
    %eq3A_91 = arith.cmpi eq, %get3A_4, %eq3A_90 : vector<8x64xi32>
    %jit3A_92 = arith.constant 0xFF800000 : f32
    %broadcast_in_dim3A_93 = vector.broadcast %jit3A_92 : f32 to vector<8x64xf32>
    %select_n3A_94 = arith.select %eq3A_91, %broadcast_in_dim3A_93, %select_n3A_78 : vector<8x64xi1>, vector<8x64xf32>
    %reduce_max3A_95 = arith.constant dense<0xFF800000> : vector<8xf32>
    %reduce_max3A_96 = vector.multi_reduction <maximumf>, %select_n3A_94, %reduce_max3A_95 [1] : vector<8x64xf32> to vector<8xf32>
    %broadcast_in_dim3A_97 = vector.shape_cast %reduce_max3A_96 : vector<8xf32> to vector<8x1xf32>
    %eq3A_98 = vector.broadcast %broadcast_in_dim3A_97 : vector<8x1xf32> to vector<8x64xf32>
    %eq3A_99 = arith.cmpf oeq, %select_n3A_94, %eq3A_98 : vector<8x64xf32>
    %jit3A_100 = arith.constant 2147483647 : i32
    %broadcast_in_dim3A_101 = vector.broadcast %jit3A_100 : i32 to vector<8x64xi32>
    %select_n3A_102 = arith.select %eq3A_99, %get3A_4, %broadcast_in_dim3A_101 : vector<8x64xi1>, vector<8x64xi32>
    %reduce_min3A_103 = arith.constant dense<2147483647> : vector<8xi32>
    %reduce_min3A_104 = vector.multi_reduction <minsi>, %select_n3A_102, %reduce_min3A_103 [1] : vector<8x64xi32> to vector<8xi32>
    %broadcast_in_dim3A_105 = vector.shape_cast %reduce_min3A_104 : vector<8xi32> to vector<8x1xi32>
    %eq3A_106 = vector.broadcast %broadcast_in_dim3A_105 : vector<8x1xi32> to vector<8x64xi32>
    %eq3A_107 = arith.cmpi eq, %get3A_4, %eq3A_106 : vector<8x64xi32>
    %jit3A_108 = arith.constant 0xFF800000 : f32
    %broadcast_in_dim3A_109 = vector.broadcast %jit3A_108 : f32 to vector<8x64xf32>
    %select_n3A_110 = arith.select %eq3A_107, %broadcast_in_dim3A_109, %select_n3A_94 : vector<8x64xi1>, vector<8x64xf32>
    %reduce_max3A_111 = arith.constant dense<0xFF800000> : vector<8xf32>
    %reduce_max3A_112 = vector.multi_reduction <maximumf>, %select_n3A_110, %reduce_max3A_111 [1] : vector<8x64xf32> to vector<8xf32>
    %broadcast_in_dim3A_113 = vector.shape_cast %reduce_max3A_112 : vector<8xf32> to vector<8x1xf32>
    %eq3A_114 = vector.broadcast %broadcast_in_dim3A_113 : vector<8x1xf32> to vector<8x64xf32>
    %eq3A_115 = arith.cmpf oeq, %select_n3A_110, %eq3A_114 : vector<8x64xf32>
    %jit3A_116 = arith.constant 2147483647 : i32
    %broadcast_in_dim3A_117 = vector.broadcast %jit3A_116 : i32 to vector<8x64xi32>
    %select_n3A_118 = arith.select %eq3A_115, %get3A_4, %broadcast_in_dim3A_117 : vector<8x64xi1>, vector<8x64xi32>
    %reduce_min3A_119 = arith.constant dense<2147483647> : vector<8xi32>
    %reduce_min3A_120 = vector.multi_reduction <minsi>, %select_n3A_118, %reduce_min3A_119 [1] : vector<8x64xi32> to vector<8xi32>
    %broadcast_in_dim3A_121 = vector.shape_cast %reduce_min3A_120 : vector<8xi32> to vector<8x1xi32>
    %concatenate3A = tpu.concatenate %broadcast_in_dim3A, %broadcast_in_dim3A_17, %broadcast_in_dim3A_33, %broadcast_in_dim3A_49, %broadcast_in_dim3A_65, %broadcast_in_dim3A_81, %broadcast_in_dim3A_97, %broadcast_in_dim3A_113 in 1 : vector<8x1xf32>, vector<8x1xf32>, vector<8x1xf32>, vector<8x1xf32>, vector<8x1xf32>, vector<8x1xf32>, vector<8x1xf32>, vector<8x1xf32> -> vector<8x8xf32>
    %concatenate3A_122 = tpu.concatenate %broadcast_in_dim3A_9, %broadcast_in_dim3A_25, %broadcast_in_dim3A_41, %broadcast_in_dim3A_57, %broadcast_in_dim3A_73, %broadcast_in_dim3A_89, %broadcast_in_dim3A_105, %broadcast_in_dim3A_121 in 1 : vector<8x1xi32>, vector<8x1xi32>, vector<8x1xi32>, vector<8x1xi32>, vector<8x1xi32>, vector<8x1xi32>, vector<8x1xi32>, vector<8x1xi32> -> vector<8x8xi32>
    %log3A = math.log %concatenate3A : vector<8x8xf32>
    %get3A_123 = arith.constant 0 : index
    %get3A_124 = arith.constant 0 : index
    %get3A_125 = vector.load %arg2[%get3A_123, %get3A_124] : memref<8x1xf32, #tpu.memory_space<vmem>>, vector<8x1xf32>
    %add3A = vector.broadcast %get3A_125 : vector<8x1xf32> to vector<8x8xf32>
    %add3A_126 = arith.addf %log3A, %add3A : vector<8x8xf32>
    %iota3A = tpu.iota {dimensions = array<i32: 0>} : vector<8x8xi32>
    %iota3A_127 = tpu.iota {dimensions = array<i32: 1>} : vector<8x8xi32>
    %mul3A = arith.constant 8 : i32
    %mul3A_128 = vector.broadcast %mul3A : i32 to vector<8x8xi32>
    %mul3A_129 = arith.muli %iota3A, %mul3A_128 : vector<8x8xi32>
    %add3A_130 = arith.addi %mul3A_129, %iota3A_127 : vector<8x8xi32>
    %reduce_max3A_131 = vector.shape_cast %add3A_126 : vector<8x8xf32> to vector<1x8x8xf32>
    %reduce_max3A_132 = arith.constant dense<0xFF800000> : vector<1xf32>
    %reduce_max3A_133 = vector.multi_reduction <maximumf>, %reduce_max3A_131, %reduce_max3A_132 [1, 2] : vector<1x8x8xf32> to vector<1xf32>
    %reduce_max3A_134 = vector.shape_cast %reduce_max3A_133 : vector<1xf32> to vector<1x1x1xf32>
    %reduce_max3A_135 = vector.extract %reduce_max3A_134[0, 0, 0] : f32 from vector<1x1x1xf32>
    %eq3A_136 = vector.broadcast %reduce_max3A_135 : f32 to vector<8x8xf32>
    %eq3A_137 = arith.cmpf oeq, %add3A_126, %eq3A_136 : vector<8x8xf32>
    %jit3A_138 = arith.constant 2147483647 : i32
    %broadcast_in_dim3A_139 = vector.broadcast %jit3A_138 : i32 to vector<8x8xi32>
    %select_n3A_140 = arith.select %eq3A_137, %add3A_130, %broadcast_in_dim3A_139 : vector<8x8xi1>, vector<8x8xi32>
    %reduce_min3A_141 = vector.shape_cast %select_n3A_140 : vector<8x8xi32> to vector<1x8x8xi32>
    %reduce_min3A_142 = arith.constant dense<2147483647> : vector<1xi32>
    %reduce_min3A_143 = vector.multi_reduction <minsi>, %reduce_min3A_141, %reduce_min3A_142 [1, 2] : vector<1x8x8xi32> to vector<1xi32>
    %reduce_min3A_144 = vector.shape_cast %reduce_min3A_143 : vector<1xi32> to vector<1x1x1xi32>
    %reduce_min3A_145 = vector.extract %reduce_min3A_144[0, 0, 0] : i32 from vector<1x1x1xi32>
    %jit3A_146 = arith.constant 8 : i32
    %div3A = arith.divsi %reduce_min3A_145, %jit3A_146 : i32
    %sign3A = arith.constant 0 : i32
    %sign3A_147 = arith.cmpi sgt, %reduce_min3A_145, %sign3A : i32
    %sign3A_148 = arith.extui %sign3A_147 : i1 to i32
    %sign3A_149 = arith.constant 0 : i32
    %sign3A_150 = arith.cmpi slt, %reduce_min3A_145, %sign3A_149 : i32
    %sign3A_151 = arith.extui %sign3A_150 : i1 to i32
    %sign3A_152 = arith.subi %sign3A_148, %sign3A_151 : i32
    %sign3A_153 = arith.constant 0 : i32
    %sign3A_154 = arith.cmpi sgt, %jit3A_146, %sign3A_153 : i32
    %sign3A_155 = arith.extui %sign3A_154 : i1 to i32
    %sign3A_156 = arith.constant 0 : i32
    %sign3A_157 = arith.cmpi slt, %jit3A_146, %sign3A_156 : i32
    %sign3A_158 = arith.extui %sign3A_157 : i1 to i32
    %sign3A_159 = arith.subi %sign3A_155, %sign3A_158 : i32
    %ne3A = arith.cmpi ne, %sign3A_152, %sign3A_159 : i32
    %rem3A = arith.remsi %reduce_min3A_145, %jit3A_146 : i32
    %ne3A_160 = arith.constant 0 : i32
    %ne3A_161 = arith.cmpi ne, %rem3A, %ne3A_160 : i32
    %and3A = arith.andi %ne3A, %ne3A_161 : i1
    %sub3A = arith.constant 1 : i32
    %sub3A_162 = arith.subi %div3A, %sub3A : i32
    %select_n3A_163 = arith.select %and3A, %sub3A_162, %div3A : i32
    %eq3A_164 = vector.broadcast %reduce_min3A_145 : i32 to vector<8x8xi32>
    %eq3A_165 = arith.cmpi eq, %add3A_130, %eq3A_164 : vector<8x8xi32>
    %jit3A_166 = arith.constant 0 : i32
    %broadcast_in_dim3A_167 = vector.broadcast %jit3A_166 : i32 to vector<8x8xi32>
    %select_n3A_168 = arith.select %eq3A_165, %concatenate3A_122, %broadcast_in_dim3A_167 : vector<8x8xi1>, vector<8x8xi32>
    %reduce_sum3A = vector.shape_cast %select_n3A_168 : vector<8x8xi32> to vector<1x8x8xi32>
    %reduce_sum3A_169 = arith.constant dense<0> : vector<1xi32>
    %reduce_sum3A_170 = vector.multi_reduction <add>, %reduce_sum3A, %reduce_sum3A_169 [1, 2] : vector<1x8x8xi32> to vector<1xi32>
    %reduce_sum3A_171 = vector.shape_cast %reduce_sum3A_170 : vector<1xi32> to vector<1x1x1xi32>
    %reduce_sum3A_172 = vector.extract %reduce_sum3A_171[0, 0, 0] : i32 from vector<1x1x1xi32>
    %eq3A_173 = vector.broadcast %reduce_min3A_145 : i32 to vector<8x8xi32>
    %eq3A_174 = arith.cmpi eq, %add3A_130, %eq3A_173 : vector<8x8xi32>
    %jit3A_175 = arith.constant 0xFF800000 : f32
    %broadcast_in_dim3A_176 = vector.broadcast %jit3A_175 : f32 to vector<8x8xf32>
    %select_n3A_177 = arith.select %eq3A_174, %broadcast_in_dim3A_176, %add3A_126 : vector<8x8xi1>, vector<8x8xf32>
    %reduce_max3A_178 = vector.shape_cast %select_n3A_177 : vector<8x8xf32> to vector<1x8x8xf32>
    %reduce_max3A_179 = arith.constant dense<0xFF800000> : vector<1xf32>
    %reduce_max3A_180 = vector.multi_reduction <maximumf>, %reduce_max3A_178, %reduce_max3A_179 [1, 2] : vector<1x8x8xf32> to vector<1xf32>
    %reduce_max3A_181 = vector.shape_cast %reduce_max3A_180 : vector<1xf32> to vector<1x1x1xf32>
    %reduce_max3A_182 = vector.extract %reduce_max3A_181[0, 0, 0] : f32 from vector<1x1x1xf32>
    %eq3A_183 = vector.broadcast %reduce_max3A_182 : f32 to vector<8x8xf32>
    %eq3A_184 = arith.cmpf oeq, %select_n3A_177, %eq3A_183 : vector<8x8xf32>
    %jit3A_185 = arith.constant 2147483647 : i32
    %broadcast_in_dim3A_186 = vector.broadcast %jit3A_185 : i32 to vector<8x8xi32>
    %select_n3A_187 = arith.select %eq3A_184, %add3A_130, %broadcast_in_dim3A_186 : vector<8x8xi1>, vector<8x8xi32>
    %reduce_min3A_188 = vector.shape_cast %select_n3A_187 : vector<8x8xi32> to vector<1x8x8xi32>
    %reduce_min3A_189 = arith.constant dense<2147483647> : vector<1xi32>
    %reduce_min3A_190 = vector.multi_reduction <minsi>, %reduce_min3A_188, %reduce_min3A_189 [1, 2] : vector<1x8x8xi32> to vector<1xi32>
    %reduce_min3A_191 = vector.shape_cast %reduce_min3A_190 : vector<1xi32> to vector<1x1x1xi32>
    %reduce_min3A_192 = vector.extract %reduce_min3A_191[0, 0, 0] : i32 from vector<1x1x1xi32>
    %jit3A_193 = arith.constant 8 : i32
    %div3A_194 = arith.divsi %reduce_min3A_192, %jit3A_193 : i32
    %sign3A_195 = arith.constant 0 : i32
    %sign3A_196 = arith.cmpi sgt, %reduce_min3A_192, %sign3A_195 : i32
    %sign3A_197 = arith.extui %sign3A_196 : i1 to i32
    %sign3A_198 = arith.constant 0 : i32
    %sign3A_199 = arith.cmpi slt, %reduce_min3A_192, %sign3A_198 : i32
    %sign3A_200 = arith.extui %sign3A_199 : i1 to i32
    %sign3A_201 = arith.subi %sign3A_197, %sign3A_200 : i32
    %sign3A_202 = arith.constant 0 : i32
    %sign3A_203 = arith.cmpi sgt, %jit3A_193, %sign3A_202 : i32
    %sign3A_204 = arith.extui %sign3A_203 : i1 to i32
    %sign3A_205 = arith.constant 0 : i32
    %sign3A_206 = arith.cmpi slt, %jit3A_193, %sign3A_205 : i32
    %sign3A_207 = arith.extui %sign3A_206 : i1 to i32
    %sign3A_208 = arith.subi %sign3A_204, %sign3A_207 : i32
    %ne3A_209 = arith.cmpi ne, %sign3A_201, %sign3A_208 : i32
    %rem3A_210 = arith.remsi %reduce_min3A_192, %jit3A_193 : i32
    %ne3A_211 = arith.constant 0 : i32
    %ne3A_212 = arith.cmpi ne, %rem3A_210, %ne3A_211 : i32
    %and3A_213 = arith.andi %ne3A_209, %ne3A_212 : i1
    %sub3A_214 = arith.constant 1 : i32
    %sub3A_215 = arith.subi %div3A_194, %sub3A_214 : i32
    %select_n3A_216 = arith.select %and3A_213, %sub3A_215, %div3A_194 : i32
    %eq3A_217 = vector.broadcast %reduce_min3A_192 : i32 to vector<8x8xi32>
    %eq3A_218 = arith.cmpi eq, %add3A_130, %eq3A_217 : vector<8x8xi32>
    %jit3A_219 = arith.constant 0 : i32
    %broadcast_in_dim3A_220 = vector.broadcast %jit3A_219 : i32 to vector<8x8xi32>
    %select_n3A_221 = arith.select %eq3A_218, %concatenate3A_122, %broadcast_in_dim3A_220 : vector<8x8xi1>, vector<8x8xi32>
    %reduce_sum3A_222 = vector.shape_cast %select_n3A_221 : vector<8x8xi32> to vector<1x8x8xi32>
    %reduce_sum3A_223 = arith.constant dense<0> : vector<1xi32>
    %reduce_sum3A_224 = vector.multi_reduction <add>, %reduce_sum3A_222, %reduce_sum3A_223 [1, 2] : vector<1x8x8xi32> to vector<1xi32>
    %reduce_sum3A_225 = vector.shape_cast %reduce_sum3A_224 : vector<1xi32> to vector<1x1x1xi32>
    %reduce_sum3A_226 = vector.extract %reduce_sum3A_225[0, 0, 0] : i32 from vector<1x1x1xi32>
    %eq3A_227 = vector.broadcast %reduce_min3A_192 : i32 to vector<8x8xi32>
    %eq3A_228 = arith.cmpi eq, %add3A_130, %eq3A_227 : vector<8x8xi32>
    %jit3A_229 = arith.constant 0xFF800000 : f32
    %broadcast_in_dim3A_230 = vector.broadcast %jit3A_229 : f32 to vector<8x8xf32>
    %select_n3A_231 = arith.select %eq3A_228, %broadcast_in_dim3A_230, %select_n3A_177 : vector<8x8xi1>, vector<8x8xf32>
    %reduce_max3A_232 = vector.shape_cast %select_n3A_231 : vector<8x8xf32> to vector<1x8x8xf32>
    %reduce_max3A_233 = arith.constant dense<0xFF800000> : vector<1xf32>
    %reduce_max3A_234 = vector.multi_reduction <maximumf>, %reduce_max3A_232, %reduce_max3A_233 [1, 2] : vector<1x8x8xf32> to vector<1xf32>
    %reduce_max3A_235 = vector.shape_cast %reduce_max3A_234 : vector<1xf32> to vector<1x1x1xf32>
    %reduce_max3A_236 = vector.extract %reduce_max3A_235[0, 0, 0] : f32 from vector<1x1x1xf32>
    %eq3A_237 = vector.broadcast %reduce_max3A_236 : f32 to vector<8x8xf32>
    %eq3A_238 = arith.cmpf oeq, %select_n3A_231, %eq3A_237 : vector<8x8xf32>
    %jit3A_239 = arith.constant 2147483647 : i32
    %broadcast_in_dim3A_240 = vector.broadcast %jit3A_239 : i32 to vector<8x8xi32>
    %select_n3A_241 = arith.select %eq3A_238, %add3A_130, %broadcast_in_dim3A_240 : vector<8x8xi1>, vector<8x8xi32>
    %reduce_min3A_242 = vector.shape_cast %select_n3A_241 : vector<8x8xi32> to vector<1x8x8xi32>
    %reduce_min3A_243 = arith.constant dense<2147483647> : vector<1xi32>
    %reduce_min3A_244 = vector.multi_reduction <minsi>, %reduce_min3A_242, %reduce_min3A_243 [1, 2] : vector<1x8x8xi32> to vector<1xi32>
    %reduce_min3A_245 = vector.shape_cast %reduce_min3A_244 : vector<1xi32> to vector<1x1x1xi32>
    %reduce_min3A_246 = vector.extract %reduce_min3A_245[0, 0, 0] : i32 from vector<1x1x1xi32>
    %jit3A_247 = arith.constant 8 : i32
    %div3A_248 = arith.divsi %reduce_min3A_246, %jit3A_247 : i32
    %sign3A_249 = arith.constant 0 : i32
    %sign3A_250 = arith.cmpi sgt, %reduce_min3A_246, %sign3A_249 : i32
    %sign3A_251 = arith.extui %sign3A_250 : i1 to i32
    %sign3A_252 = arith.constant 0 : i32
    %sign3A_253 = arith.cmpi slt, %reduce_min3A_246, %sign3A_252 : i32
    %sign3A_254 = arith.extui %sign3A_253 : i1 to i32
    %sign3A_255 = arith.subi %sign3A_251, %sign3A_254 : i32
    %sign3A_256 = arith.constant 0 : i32
    %sign3A_257 = arith.cmpi sgt, %jit3A_247, %sign3A_256 : i32
    %sign3A_258 = arith.extui %sign3A_257 : i1 to i32
    %sign3A_259 = arith.constant 0 : i32
    %sign3A_260 = arith.cmpi slt, %jit3A_247, %sign3A_259 : i32
    %sign3A_261 = arith.extui %sign3A_260 : i1 to i32
    %sign3A_262 = arith.subi %sign3A_258, %sign3A_261 : i32
    %ne3A_263 = arith.cmpi ne, %sign3A_255, %sign3A_262 : i32
    %rem3A_264 = arith.remsi %reduce_min3A_246, %jit3A_247 : i32
    %ne3A_265 = arith.constant 0 : i32
    %ne3A_266 = arith.cmpi ne, %rem3A_264, %ne3A_265 : i32
    %and3A_267 = arith.andi %ne3A_263, %ne3A_266 : i1
    %sub3A_268 = arith.constant 1 : i32
    %sub3A_269 = arith.subi %div3A_248, %sub3A_268 : i32
    %select_n3A_270 = arith.select %and3A_267, %sub3A_269, %div3A_248 : i32
    %eq3A_271 = vector.broadcast %reduce_min3A_246 : i32 to vector<8x8xi32>
    %eq3A_272 = arith.cmpi eq, %add3A_130, %eq3A_271 : vector<8x8xi32>
    %jit3A_273 = arith.constant 0 : i32
    %broadcast_in_dim3A_274 = vector.broadcast %jit3A_273 : i32 to vector<8x8xi32>
    %select_n3A_275 = arith.select %eq3A_272, %concatenate3A_122, %broadcast_in_dim3A_274 : vector<8x8xi1>, vector<8x8xi32>
    %reduce_sum3A_276 = vector.shape_cast %select_n3A_275 : vector<8x8xi32> to vector<1x8x8xi32>
    %reduce_sum3A_277 = arith.constant dense<0> : vector<1xi32>
    %reduce_sum3A_278 = vector.multi_reduction <add>, %reduce_sum3A_276, %reduce_sum3A_277 [1, 2] : vector<1x8x8xi32> to vector<1xi32>
    %reduce_sum3A_279 = vector.shape_cast %reduce_sum3A_278 : vector<1xi32> to vector<1x1x1xi32>
    %reduce_sum3A_280 = vector.extract %reduce_sum3A_279[0, 0, 0] : i32 from vector<1x1x1xi32>
    %eq3A_281 = vector.broadcast %reduce_min3A_246 : i32 to vector<8x8xi32>
    %eq3A_282 = arith.cmpi eq, %add3A_130, %eq3A_281 : vector<8x8xi32>
    %jit3A_283 = arith.constant 0xFF800000 : f32
    %broadcast_in_dim3A_284 = vector.broadcast %jit3A_283 : f32 to vector<8x8xf32>
    %select_n3A_285 = arith.select %eq3A_282, %broadcast_in_dim3A_284, %select_n3A_231 : vector<8x8xi1>, vector<8x8xf32>
    %reduce_max3A_286 = vector.shape_cast %select_n3A_285 : vector<8x8xf32> to vector<1x8x8xf32>
    %reduce_max3A_287 = arith.constant dense<0xFF800000> : vector<1xf32>
    %reduce_max3A_288 = vector.multi_reduction <maximumf>, %reduce_max3A_286, %reduce_max3A_287 [1, 2] : vector<1x8x8xf32> to vector<1xf32>
    %reduce_max3A_289 = vector.shape_cast %reduce_max3A_288 : vector<1xf32> to vector<1x1x1xf32>
    %reduce_max3A_290 = vector.extract %reduce_max3A_289[0, 0, 0] : f32 from vector<1x1x1xf32>
    %eq3A_291 = vector.broadcast %reduce_max3A_290 : f32 to vector<8x8xf32>
    %eq3A_292 = arith.cmpf oeq, %select_n3A_285, %eq3A_291 : vector<8x8xf32>
    %jit3A_293 = arith.constant 2147483647 : i32
    %broadcast_in_dim3A_294 = vector.broadcast %jit3A_293 : i32 to vector<8x8xi32>
    %select_n3A_295 = arith.select %eq3A_292, %add3A_130, %broadcast_in_dim3A_294 : vector<8x8xi1>, vector<8x8xi32>
    %reduce_min3A_296 = vector.shape_cast %select_n3A_295 : vector<8x8xi32> to vector<1x8x8xi32>
    %reduce_min3A_297 = arith.constant dense<2147483647> : vector<1xi32>
    %reduce_min3A_298 = vector.multi_reduction <minsi>, %reduce_min3A_296, %reduce_min3A_297 [1, 2] : vector<1x8x8xi32> to vector<1xi32>
    %reduce_min3A_299 = vector.shape_cast %reduce_min3A_298 : vector<1xi32> to vector<1x1x1xi32>
    %reduce_min3A_300 = vector.extract %reduce_min3A_299[0, 0, 0] : i32 from vector<1x1x1xi32>
    %jit3A_301 = arith.constant 8 : i32
    %div3A_302 = arith.divsi %reduce_min3A_300, %jit3A_301 : i32
    %sign3A_303 = arith.constant 0 : i32
    %sign3A_304 = arith.cmpi sgt, %reduce_min3A_300, %sign3A_303 : i32
    %sign3A_305 = arith.extui %sign3A_304 : i1 to i32
    %sign3A_306 = arith.constant 0 : i32
    %sign3A_307 = arith.cmpi slt, %reduce_min3A_300, %sign3A_306 : i32
    %sign3A_308 = arith.extui %sign3A_307 : i1 to i32
    %sign3A_309 = arith.subi %sign3A_305, %sign3A_308 : i32
    %sign3A_310 = arith.constant 0 : i32
    %sign3A_311 = arith.cmpi sgt, %jit3A_301, %sign3A_310 : i32
    %sign3A_312 = arith.extui %sign3A_311 : i1 to i32
    %sign3A_313 = arith.constant 0 : i32
    %sign3A_314 = arith.cmpi slt, %jit3A_301, %sign3A_313 : i32
    %sign3A_315 = arith.extui %sign3A_314 : i1 to i32
    %sign3A_316 = arith.subi %sign3A_312, %sign3A_315 : i32
    %ne3A_317 = arith.cmpi ne, %sign3A_309, %sign3A_316 : i32
    %rem3A_318 = arith.remsi %reduce_min3A_300, %jit3A_301 : i32
    %ne3A_319 = arith.constant 0 : i32
    %ne3A_320 = arith.cmpi ne, %rem3A_318, %ne3A_319 : i32
    %and3A_321 = arith.andi %ne3A_317, %ne3A_320 : i1
    %sub3A_322 = arith.constant 1 : i32
    %sub3A_323 = arith.subi %div3A_302, %sub3A_322 : i32
    %select_n3A_324 = arith.select %and3A_321, %sub3A_323, %div3A_302 : i32
    %eq3A_325 = vector.broadcast %reduce_min3A_300 : i32 to vector<8x8xi32>
    %eq3A_326 = arith.cmpi eq, %add3A_130, %eq3A_325 : vector<8x8xi32>
    %jit3A_327 = arith.constant 0 : i32
    %broadcast_in_dim3A_328 = vector.broadcast %jit3A_327 : i32 to vector<8x8xi32>
    %select_n3A_329 = arith.select %eq3A_326, %concatenate3A_122, %broadcast_in_dim3A_328 : vector<8x8xi1>, vector<8x8xi32>
    %reduce_sum3A_330 = vector.shape_cast %select_n3A_329 : vector<8x8xi32> to vector<1x8x8xi32>
    %reduce_sum3A_331 = arith.constant dense<0> : vector<1xi32>
    %reduce_sum3A_332 = vector.multi_reduction <add>, %reduce_sum3A_330, %reduce_sum3A_331 [1, 2] : vector<1x8x8xi32> to vector<1xi32>
    %reduce_sum3A_333 = vector.shape_cast %reduce_sum3A_332 : vector<1xi32> to vector<1x1x1xi32>
    %reduce_sum3A_334 = vector.extract %reduce_sum3A_333[0, 0, 0] : i32 from vector<1x1x1xi32>
    %eq3A_335 = vector.broadcast %reduce_min3A_300 : i32 to vector<8x8xi32>
    %eq3A_336 = arith.cmpi eq, %add3A_130, %eq3A_335 : vector<8x8xi32>
    %jit3A_337 = arith.constant 0xFF800000 : f32
    %broadcast_in_dim3A_338 = vector.broadcast %jit3A_337 : f32 to vector<8x8xf32>
    %select_n3A_339 = arith.select %eq3A_336, %broadcast_in_dim3A_338, %select_n3A_285 : vector<8x8xi1>, vector<8x8xf32>
    %reduce_max3A_340 = vector.shape_cast %select_n3A_339 : vector<8x8xf32> to vector<1x8x8xf32>
    %reduce_max3A_341 = arith.constant dense<0xFF800000> : vector<1xf32>
    %reduce_max3A_342 = vector.multi_reduction <maximumf>, %reduce_max3A_340, %reduce_max3A_341 [1, 2] : vector<1x8x8xf32> to vector<1xf32>
    %reduce_max3A_343 = vector.shape_cast %reduce_max3A_342 : vector<1xf32> to vector<1x1x1xf32>
    %reduce_max3A_344 = vector.extract %reduce_max3A_343[0, 0, 0] : f32 from vector<1x1x1xf32>
    %eq3A_345 = vector.broadcast %reduce_max3A_344 : f32 to vector<8x8xf32>
    %eq3A_346 = arith.cmpf oeq, %select_n3A_339, %eq3A_345 : vector<8x8xf32>
    %jit3A_347 = arith.constant 2147483647 : i32
    %broadcast_in_dim3A_348 = vector.broadcast %jit3A_347 : i32 to vector<8x8xi32>
    %select_n3A_349 = arith.select %eq3A_346, %add3A_130, %broadcast_in_dim3A_348 : vector<8x8xi1>, vector<8x8xi32>
    %reduce_min3A_350 = vector.shape_cast %select_n3A_349 : vector<8x8xi32> to vector<1x8x8xi32>
    %reduce_min3A_351 = arith.constant dense<2147483647> : vector<1xi32>
    %reduce_min3A_352 = vector.multi_reduction <minsi>, %reduce_min3A_350, %reduce_min3A_351 [1, 2] : vector<1x8x8xi32> to vector<1xi32>
    %reduce_min3A_353 = vector.shape_cast %reduce_min3A_352 : vector<1xi32> to vector<1x1x1xi32>
    %reduce_min3A_354 = vector.extract %reduce_min3A_353[0, 0, 0] : i32 from vector<1x1x1xi32>
    %jit3A_355 = arith.constant 8 : i32
    %div3A_356 = arith.divsi %reduce_min3A_354, %jit3A_355 : i32
    %sign3A_357 = arith.constant 0 : i32
    %sign3A_358 = arith.cmpi sgt, %reduce_min3A_354, %sign3A_357 : i32
    %sign3A_359 = arith.extui %sign3A_358 : i1 to i32
    %sign3A_360 = arith.constant 0 : i32
    %sign3A_361 = arith.cmpi slt, %reduce_min3A_354, %sign3A_360 : i32
    %sign3A_362 = arith.extui %sign3A_361 : i1 to i32
    %sign3A_363 = arith.subi %sign3A_359, %sign3A_362 : i32
    %sign3A_364 = arith.constant 0 : i32
    %sign3A_365 = arith.cmpi sgt, %jit3A_355, %sign3A_364 : i32
    %sign3A_366 = arith.extui %sign3A_365 : i1 to i32
    %sign3A_367 = arith.constant 0 : i32
    %sign3A_368 = arith.cmpi slt, %jit3A_355, %sign3A_367 : i32
    %sign3A_369 = arith.extui %sign3A_368 : i1 to i32
    %sign3A_370 = arith.subi %sign3A_366, %sign3A_369 : i32
    %ne3A_371 = arith.cmpi ne, %sign3A_363, %sign3A_370 : i32
    %rem3A_372 = arith.remsi %reduce_min3A_354, %jit3A_355 : i32
    %ne3A_373 = arith.constant 0 : i32
    %ne3A_374 = arith.cmpi ne, %rem3A_372, %ne3A_373 : i32
    %and3A_375 = arith.andi %ne3A_371, %ne3A_374 : i1
    %sub3A_376 = arith.constant 1 : i32
    %sub3A_377 = arith.subi %div3A_356, %sub3A_376 : i32
    %select_n3A_378 = arith.select %and3A_375, %sub3A_377, %div3A_356 : i32
    %eq3A_379 = vector.broadcast %reduce_min3A_354 : i32 to vector<8x8xi32>
    %eq3A_380 = arith.cmpi eq, %add3A_130, %eq3A_379 : vector<8x8xi32>
    %jit3A_381 = arith.constant 0 : i32
    %broadcast_in_dim3A_382 = vector.broadcast %jit3A_381 : i32 to vector<8x8xi32>
    %select_n3A_383 = arith.select %eq3A_380, %concatenate3A_122, %broadcast_in_dim3A_382 : vector<8x8xi1>, vector<8x8xi32>
    %reduce_sum3A_384 = vector.shape_cast %select_n3A_383 : vector<8x8xi32> to vector<1x8x8xi32>
    %reduce_sum3A_385 = arith.constant dense<0> : vector<1xi32>
    %reduce_sum3A_386 = vector.multi_reduction <add>, %reduce_sum3A_384, %reduce_sum3A_385 [1, 2] : vector<1x8x8xi32> to vector<1xi32>
    %reduce_sum3A_387 = vector.shape_cast %reduce_sum3A_386 : vector<1xi32> to vector<1x1x1xi32>
    %reduce_sum3A_388 = vector.extract %reduce_sum3A_387[0, 0, 0] : i32 from vector<1x1x1xi32>
    %eq3A_389 = vector.broadcast %reduce_min3A_354 : i32 to vector<8x8xi32>
    %eq3A_390 = arith.cmpi eq, %add3A_130, %eq3A_389 : vector<8x8xi32>
    %jit3A_391 = arith.constant 0xFF800000 : f32
    %broadcast_in_dim3A_392 = vector.broadcast %jit3A_391 : f32 to vector<8x8xf32>
    %select_n3A_393 = arith.select %eq3A_390, %broadcast_in_dim3A_392, %select_n3A_339 : vector<8x8xi1>, vector<8x8xf32>
    %reduce_max3A_394 = vector.shape_cast %select_n3A_393 : vector<8x8xf32> to vector<1x8x8xf32>
    %reduce_max3A_395 = arith.constant dense<0xFF800000> : vector<1xf32>
    %reduce_max3A_396 = vector.multi_reduction <maximumf>, %reduce_max3A_394, %reduce_max3A_395 [1, 2] : vector<1x8x8xf32> to vector<1xf32>
    %reduce_max3A_397 = vector.shape_cast %reduce_max3A_396 : vector<1xf32> to vector<1x1x1xf32>
    %reduce_max3A_398 = vector.extract %reduce_max3A_397[0, 0, 0] : f32 from vector<1x1x1xf32>
    %eq3A_399 = vector.broadcast %reduce_max3A_398 : f32 to vector<8x8xf32>
    %eq3A_400 = arith.cmpf oeq, %select_n3A_393, %eq3A_399 : vector<8x8xf32>
    %jit3A_401 = arith.constant 2147483647 : i32
    %broadcast_in_dim3A_402 = vector.broadcast %jit3A_401 : i32 to vector<8x8xi32>
    %select_n3A_403 = arith.select %eq3A_400, %add3A_130, %broadcast_in_dim3A_402 : vector<8x8xi1>, vector<8x8xi32>
    %reduce_min3A_404 = vector.shape_cast %select_n3A_403 : vector<8x8xi32> to vector<1x8x8xi32>
    %reduce_min3A_405 = arith.constant dense<2147483647> : vector<1xi32>
    %reduce_min3A_406 = vector.multi_reduction <minsi>, %reduce_min3A_404, %reduce_min3A_405 [1, 2] : vector<1x8x8xi32> to vector<1xi32>
    %reduce_min3A_407 = vector.shape_cast %reduce_min3A_406 : vector<1xi32> to vector<1x1x1xi32>
    %reduce_min3A_408 = vector.extract %reduce_min3A_407[0, 0, 0] : i32 from vector<1x1x1xi32>
    %jit3A_409 = arith.constant 8 : i32
    %div3A_410 = arith.divsi %reduce_min3A_408, %jit3A_409 : i32
    %sign3A_411 = arith.constant 0 : i32
    %sign3A_412 = arith.cmpi sgt, %reduce_min3A_408, %sign3A_411 : i32
    %sign3A_413 = arith.extui %sign3A_412 : i1 to i32
    %sign3A_414 = arith.constant 0 : i32
    %sign3A_415 = arith.cmpi slt, %reduce_min3A_408, %sign3A_414 : i32
    %sign3A_416 = arith.extui %sign3A_415 : i1 to i32
    %sign3A_417 = arith.subi %sign3A_413, %sign3A_416 : i32
    %sign3A_418 = arith.constant 0 : i32
    %sign3A_419 = arith.cmpi sgt, %jit3A_409, %sign3A_418 : i32
    %sign3A_420 = arith.extui %sign3A_419 : i1 to i32
    %sign3A_421 = arith.constant 0 : i32
    %sign3A_422 = arith.cmpi slt, %jit3A_409, %sign3A_421 : i32
    %sign3A_423 = arith.extui %sign3A_422 : i1 to i32
    %sign3A_424 = arith.subi %sign3A_420, %sign3A_423 : i32
    %ne3A_425 = arith.cmpi ne, %sign3A_417, %sign3A_424 : i32
    %rem3A_426 = arith.remsi %reduce_min3A_408, %jit3A_409 : i32
    %ne3A_427 = arith.constant 0 : i32
    %ne3A_428 = arith.cmpi ne, %rem3A_426, %ne3A_427 : i32
    %and3A_429 = arith.andi %ne3A_425, %ne3A_428 : i1
    %sub3A_430 = arith.constant 1 : i32
    %sub3A_431 = arith.subi %div3A_410, %sub3A_430 : i32
    %select_n3A_432 = arith.select %and3A_429, %sub3A_431, %div3A_410 : i32
    %eq3A_433 = vector.broadcast %reduce_min3A_408 : i32 to vector<8x8xi32>
    %eq3A_434 = arith.cmpi eq, %add3A_130, %eq3A_433 : vector<8x8xi32>
    %jit3A_435 = arith.constant 0 : i32
    %broadcast_in_dim3A_436 = vector.broadcast %jit3A_435 : i32 to vector<8x8xi32>
    %select_n3A_437 = arith.select %eq3A_434, %concatenate3A_122, %broadcast_in_dim3A_436 : vector<8x8xi1>, vector<8x8xi32>
    %reduce_sum3A_438 = vector.shape_cast %select_n3A_437 : vector<8x8xi32> to vector<1x8x8xi32>
    %reduce_sum3A_439 = arith.constant dense<0> : vector<1xi32>
    %reduce_sum3A_440 = vector.multi_reduction <add>, %reduce_sum3A_438, %reduce_sum3A_439 [1, 2] : vector<1x8x8xi32> to vector<1xi32>
    %reduce_sum3A_441 = vector.shape_cast %reduce_sum3A_440 : vector<1xi32> to vector<1x1x1xi32>
    %reduce_sum3A_442 = vector.extract %reduce_sum3A_441[0, 0, 0] : i32 from vector<1x1x1xi32>
    %eq3A_443 = vector.broadcast %reduce_min3A_408 : i32 to vector<8x8xi32>
    %eq3A_444 = arith.cmpi eq, %add3A_130, %eq3A_443 : vector<8x8xi32>
    %jit3A_445 = arith.constant 0xFF800000 : f32
    %broadcast_in_dim3A_446 = vector.broadcast %jit3A_445 : f32 to vector<8x8xf32>
    %select_n3A_447 = arith.select %eq3A_444, %broadcast_in_dim3A_446, %select_n3A_393 : vector<8x8xi1>, vector<8x8xf32>
    %reduce_max3A_448 = vector.shape_cast %select_n3A_447 : vector<8x8xf32> to vector<1x8x8xf32>
    %reduce_max3A_449 = arith.constant dense<0xFF800000> : vector<1xf32>
    %reduce_max3A_450 = vector.multi_reduction <maximumf>, %reduce_max3A_448, %reduce_max3A_449 [1, 2] : vector<1x8x8xf32> to vector<1xf32>
    %reduce_max3A_451 = vector.shape_cast %reduce_max3A_450 : vector<1xf32> to vector<1x1x1xf32>
    %reduce_max3A_452 = vector.extract %reduce_max3A_451[0, 0, 0] : f32 from vector<1x1x1xf32>
    %eq3A_453 = vector.broadcast %reduce_max3A_452 : f32 to vector<8x8xf32>
    %eq3A_454 = arith.cmpf oeq, %select_n3A_447, %eq3A_453 : vector<8x8xf32>
    %jit3A_455 = arith.constant 2147483647 : i32
    %broadcast_in_dim3A_456 = vector.broadcast %jit3A_455 : i32 to vector<8x8xi32>
    %select_n3A_457 = arith.select %eq3A_454, %add3A_130, %broadcast_in_dim3A_456 : vector<8x8xi1>, vector<8x8xi32>
    %reduce_min3A_458 = vector.shape_cast %select_n3A_457 : vector<8x8xi32> to vector<1x8x8xi32>
    %reduce_min3A_459 = arith.constant dense<2147483647> : vector<1xi32>
    %reduce_min3A_460 = vector.multi_reduction <minsi>, %reduce_min3A_458, %reduce_min3A_459 [1, 2] : vector<1x8x8xi32> to vector<1xi32>
    %reduce_min3A_461 = vector.shape_cast %reduce_min3A_460 : vector<1xi32> to vector<1x1x1xi32>
    %reduce_min3A_462 = vector.extract %reduce_min3A_461[0, 0, 0] : i32 from vector<1x1x1xi32>
    %jit3A_463 = arith.constant 8 : i32
    %div3A_464 = arith.divsi %reduce_min3A_462, %jit3A_463 : i32
    %sign3A_465 = arith.constant 0 : i32
    %sign3A_466 = arith.cmpi sgt, %reduce_min3A_462, %sign3A_465 : i32
    %sign3A_467 = arith.extui %sign3A_466 : i1 to i32
    %sign3A_468 = arith.constant 0 : i32
    %sign3A_469 = arith.cmpi slt, %reduce_min3A_462, %sign3A_468 : i32
    %sign3A_470 = arith.extui %sign3A_469 : i1 to i32
    %sign3A_471 = arith.subi %sign3A_467, %sign3A_470 : i32
    %sign3A_472 = arith.constant 0 : i32
    %sign3A_473 = arith.cmpi sgt, %jit3A_463, %sign3A_472 : i32
    %sign3A_474 = arith.extui %sign3A_473 : i1 to i32
    %sign3A_475 = arith.constant 0 : i32
    %sign3A_476 = arith.cmpi slt, %jit3A_463, %sign3A_475 : i32
    %sign3A_477 = arith.extui %sign3A_476 : i1 to i32
    %sign3A_478 = arith.subi %sign3A_474, %sign3A_477 : i32
    %ne3A_479 = arith.cmpi ne, %sign3A_471, %sign3A_478 : i32
    %rem3A_480 = arith.remsi %reduce_min3A_462, %jit3A_463 : i32
    %ne3A_481 = arith.constant 0 : i32
    %ne3A_482 = arith.cmpi ne, %rem3A_480, %ne3A_481 : i32
    %and3A_483 = arith.andi %ne3A_479, %ne3A_482 : i1
    %sub3A_484 = arith.constant 1 : i32
    %sub3A_485 = arith.subi %div3A_464, %sub3A_484 : i32
    %select_n3A_486 = arith.select %and3A_483, %sub3A_485, %div3A_464 : i32
    %eq3A_487 = vector.broadcast %reduce_min3A_462 : i32 to vector<8x8xi32>
    %eq3A_488 = arith.cmpi eq, %add3A_130, %eq3A_487 : vector<8x8xi32>
    %jit3A_489 = arith.constant 0 : i32
    %broadcast_in_dim3A_490 = vector.broadcast %jit3A_489 : i32 to vector<8x8xi32>
    %select_n3A_491 = arith.select %eq3A_488, %concatenate3A_122, %broadcast_in_dim3A_490 : vector<8x8xi1>, vector<8x8xi32>
    %reduce_sum3A_492 = vector.shape_cast %select_n3A_491 : vector<8x8xi32> to vector<1x8x8xi32>
    %reduce_sum3A_493 = arith.constant dense<0> : vector<1xi32>
    %reduce_sum3A_494 = vector.multi_reduction <add>, %reduce_sum3A_492, %reduce_sum3A_493 [1, 2] : vector<1x8x8xi32> to vector<1xi32>
    %reduce_sum3A_495 = vector.shape_cast %reduce_sum3A_494 : vector<1xi32> to vector<1x1x1xi32>
    %reduce_sum3A_496 = vector.extract %reduce_sum3A_495[0, 0, 0] : i32 from vector<1x1x1xi32>
    %eq3A_497 = vector.broadcast %reduce_min3A_462 : i32 to vector<8x8xi32>
    %eq3A_498 = arith.cmpi eq, %add3A_130, %eq3A_497 : vector<8x8xi32>
    %jit3A_499 = arith.constant 0xFF800000 : f32
    %broadcast_in_dim3A_500 = vector.broadcast %jit3A_499 : f32 to vector<8x8xf32>
    %select_n3A_501 = arith.select %eq3A_498, %broadcast_in_dim3A_500, %select_n3A_447 : vector<8x8xi1>, vector<8x8xf32>
    %reduce_max3A_502 = vector.shape_cast %select_n3A_501 : vector<8x8xf32> to vector<1x8x8xf32>
    %reduce_max3A_503 = arith.constant dense<0xFF800000> : vector<1xf32>
    %reduce_max3A_504 = vector.multi_reduction <maximumf>, %reduce_max3A_502, %reduce_max3A_503 [1, 2] : vector<1x8x8xf32> to vector<1xf32>
    %reduce_max3A_505 = vector.shape_cast %reduce_max3A_504 : vector<1xf32> to vector<1x1x1xf32>
    %reduce_max3A_506 = vector.extract %reduce_max3A_505[0, 0, 0] : f32 from vector<1x1x1xf32>
    %eq3A_507 = vector.broadcast %reduce_max3A_506 : f32 to vector<8x8xf32>
    %eq3A_508 = arith.cmpf oeq, %select_n3A_501, %eq3A_507 : vector<8x8xf32>
    %jit3A_509 = arith.constant 2147483647 : i32
    %broadcast_in_dim3A_510 = vector.broadcast %jit3A_509 : i32 to vector<8x8xi32>
    %select_n3A_511 = arith.select %eq3A_508, %add3A_130, %broadcast_in_dim3A_510 : vector<8x8xi1>, vector<8x8xi32>
    %reduce_min3A_512 = vector.shape_cast %select_n3A_511 : vector<8x8xi32> to vector<1x8x8xi32>
    %reduce_min3A_513 = arith.constant dense<2147483647> : vector<1xi32>
    %reduce_min3A_514 = vector.multi_reduction <minsi>, %reduce_min3A_512, %reduce_min3A_513 [1, 2] : vector<1x8x8xi32> to vector<1xi32>
    %reduce_min3A_515 = vector.shape_cast %reduce_min3A_514 : vector<1xi32> to vector<1x1x1xi32>
    %reduce_min3A_516 = vector.extract %reduce_min3A_515[0, 0, 0] : i32 from vector<1x1x1xi32>
    %jit3A_517 = arith.constant 8 : i32
    %div3A_518 = arith.divsi %reduce_min3A_516, %jit3A_517 : i32
    %sign3A_519 = arith.constant 0 : i32
    %sign3A_520 = arith.cmpi sgt, %reduce_min3A_516, %sign3A_519 : i32
    %sign3A_521 = arith.extui %sign3A_520 : i1 to i32
    %sign3A_522 = arith.constant 0 : i32
    %sign3A_523 = arith.cmpi slt, %reduce_min3A_516, %sign3A_522 : i32
    %sign3A_524 = arith.extui %sign3A_523 : i1 to i32
    %sign3A_525 = arith.subi %sign3A_521, %sign3A_524 : i32
    %sign3A_526 = arith.constant 0 : i32
    %sign3A_527 = arith.cmpi sgt, %jit3A_517, %sign3A_526 : i32
    %sign3A_528 = arith.extui %sign3A_527 : i1 to i32
    %sign3A_529 = arith.constant 0 : i32
    %sign3A_530 = arith.cmpi slt, %jit3A_517, %sign3A_529 : i32
    %sign3A_531 = arith.extui %sign3A_530 : i1 to i32
    %sign3A_532 = arith.subi %sign3A_528, %sign3A_531 : i32
    %ne3A_533 = arith.cmpi ne, %sign3A_525, %sign3A_532 : i32
    %rem3A_534 = arith.remsi %reduce_min3A_516, %jit3A_517 : i32
    %ne3A_535 = arith.constant 0 : i32
    %ne3A_536 = arith.cmpi ne, %rem3A_534, %ne3A_535 : i32
    %and3A_537 = arith.andi %ne3A_533, %ne3A_536 : i1
    %sub3A_538 = arith.constant 1 : i32
    %sub3A_539 = arith.subi %div3A_518, %sub3A_538 : i32
    %select_n3A_540 = arith.select %and3A_537, %sub3A_539, %div3A_518 : i32
    %eq3A_541 = vector.broadcast %reduce_min3A_516 : i32 to vector<8x8xi32>
    %eq3A_542 = arith.cmpi eq, %add3A_130, %eq3A_541 : vector<8x8xi32>
    %jit3A_543 = arith.constant 0 : i32
    %broadcast_in_dim3A_544 = vector.broadcast %jit3A_543 : i32 to vector<8x8xi32>
    %select_n3A_545 = arith.select %eq3A_542, %concatenate3A_122, %broadcast_in_dim3A_544 : vector<8x8xi1>, vector<8x8xi32>
    %reduce_sum3A_546 = vector.shape_cast %select_n3A_545 : vector<8x8xi32> to vector<1x8x8xi32>
    %reduce_sum3A_547 = arith.constant dense<0> : vector<1xi32>
    %reduce_sum3A_548 = vector.multi_reduction <add>, %reduce_sum3A_546, %reduce_sum3A_547 [1, 2] : vector<1x8x8xi32> to vector<1xi32>
    %reduce_sum3A_549 = vector.shape_cast %reduce_sum3A_548 : vector<1xi32> to vector<1x1x1xi32>
    %reduce_sum3A_550 = vector.extract %reduce_sum3A_549[0, 0, 0] : i32 from vector<1x1x1xi32>
    %get3A_551 = arith.constant 0 : index
    %get3A_552 = arith.constant 0 : index
    %get3A_553 = vector.load %arg3[%get3A_551, %get3A_552] : memref<8x256xi32, #tpu.memory_space<vmem>>, vector<8x256xi32>
    %slice3A = vector.extract_strided_slice %get3A_553 {offsets = [0, 0], sizes = [1, 256], strides = [1, 1]} : vector<8x256xi32> to vector<1x256xi32>
    %eq3A_554 = arith.constant 1 : i32
    %eq3A_555 = arith.cmpi eq, %select_n3A_163, %eq3A_554 : i32
    %slice3A_556 = vector.extract_strided_slice %get3A_553 {offsets = [1, 0], sizes = [1, 256], strides = [1, 1]} : vector<8x256xi32> to vector<1x256xi32>
    %select_n3A_557 = arith.select %eq3A_555, %slice3A_556, %slice3A : vector<1x256xi32>
    %eq3A_558 = arith.constant 2 : i32
    %eq3A_559 = arith.cmpi eq, %select_n3A_163, %eq3A_558 : i32
    %slice3A_560 = vector.extract_strided_slice %get3A_553 {offsets = [2, 0], sizes = [1, 256], strides = [1, 1]} : vector<8x256xi32> to vector<1x256xi32>
    %select_n3A_561 = arith.select %eq3A_559, %slice3A_560, %select_n3A_557 : vector<1x256xi32>
    %eq3A_562 = arith.constant 3 : i32
    %eq3A_563 = arith.cmpi eq, %select_n3A_163, %eq3A_562 : i32
    %slice3A_564 = vector.extract_strided_slice %get3A_553 {offsets = [3, 0], sizes = [1, 256], strides = [1, 1]} : vector<8x256xi32> to vector<1x256xi32>
    %select_n3A_565 = arith.select %eq3A_563, %slice3A_564, %select_n3A_561 : vector<1x256xi32>
    %eq3A_566 = arith.constant 4 : i32
    %eq3A_567 = arith.cmpi eq, %select_n3A_163, %eq3A_566 : i32
    %slice3A_568 = vector.extract_strided_slice %get3A_553 {offsets = [4, 0], sizes = [1, 256], strides = [1, 1]} : vector<8x256xi32> to vector<1x256xi32>
    %select_n3A_569 = arith.select %eq3A_567, %slice3A_568, %select_n3A_565 : vector<1x256xi32>
    %eq3A_570 = arith.constant 5 : i32
    %eq3A_571 = arith.cmpi eq, %select_n3A_163, %eq3A_570 : i32
    %slice3A_572 = vector.extract_strided_slice %get3A_553 {offsets = [5, 0], sizes = [1, 256], strides = [1, 1]} : vector<8x256xi32> to vector<1x256xi32>
    %select_n3A_573 = arith.select %eq3A_571, %slice3A_572, %select_n3A_569 : vector<1x256xi32>
    %eq3A_574 = arith.constant 6 : i32
    %eq3A_575 = arith.cmpi eq, %select_n3A_163, %eq3A_574 : i32
    %slice3A_576 = vector.extract_strided_slice %get3A_553 {offsets = [6, 0], sizes = [1, 256], strides = [1, 1]} : vector<8x256xi32> to vector<1x256xi32>
    %select_n3A_577 = arith.select %eq3A_575, %slice3A_576, %select_n3A_573 : vector<1x256xi32>
    %eq3A_578 = arith.constant 7 : i32
    %eq3A_579 = arith.cmpi eq, %select_n3A_163, %eq3A_578 : i32
    %slice3A_580 = vector.extract_strided_slice %get3A_553 {offsets = [7, 0], sizes = [1, 256], strides = [1, 1]} : vector<8x256xi32> to vector<1x256xi32>
    %select_n3A_581 = arith.select %eq3A_579, %slice3A_580, %select_n3A_577 : vector<1x256xi32>
    %slice3A_582 = vector.extract_strided_slice %get3A_553 {offsets = [0, 0], sizes = [1, 256], strides = [1, 1]} : vector<8x256xi32> to vector<1x256xi32>
    %eq3A_583 = arith.constant 1 : i32
    %eq3A_584 = arith.cmpi eq, %select_n3A_216, %eq3A_583 : i32
    %slice3A_585 = vector.extract_strided_slice %get3A_553 {offsets = [1, 0], sizes = [1, 256], strides = [1, 1]} : vector<8x256xi32> to vector<1x256xi32>
    %select_n3A_586 = arith.select %eq3A_584, %slice3A_585, %slice3A_582 : vector<1x256xi32>
    %eq3A_587 = arith.constant 2 : i32
    %eq3A_588 = arith.cmpi eq, %select_n3A_216, %eq3A_587 : i32
    %slice3A_589 = vector.extract_strided_slice %get3A_553 {offsets = [2, 0], sizes = [1, 256], strides = [1, 1]} : vector<8x256xi32> to vector<1x256xi32>
    %select_n3A_590 = arith.select %eq3A_588, %slice3A_589, %select_n3A_586 : vector<1x256xi32>
    %eq3A_591 = arith.constant 3 : i32
    %eq3A_592 = arith.cmpi eq, %select_n3A_216, %eq3A_591 : i32
    %slice3A_593 = vector.extract_strided_slice %get3A_553 {offsets = [3, 0], sizes = [1, 256], strides = [1, 1]} : vector<8x256xi32> to vector<1x256xi32>
    %select_n3A_594 = arith.select %eq3A_592, %slice3A_593, %select_n3A_590 : vector<1x256xi32>
    %eq3A_595 = arith.constant 4 : i32
    %eq3A_596 = arith.cmpi eq, %select_n3A_216, %eq3A_595 : i32
    %slice3A_597 = vector.extract_strided_slice %get3A_553 {offsets = [4, 0], sizes = [1, 256], strides = [1, 1]} : vector<8x256xi32> to vector<1x256xi32>
    %select_n3A_598 = arith.select %eq3A_596, %slice3A_597, %select_n3A_594 : vector<1x256xi32>
    %eq3A_599 = arith.constant 5 : i32
    %eq3A_600 = arith.cmpi eq, %select_n3A_216, %eq3A_599 : i32
    %slice3A_601 = vector.extract_strided_slice %get3A_553 {offsets = [5, 0], sizes = [1, 256], strides = [1, 1]} : vector<8x256xi32> to vector<1x256xi32>
    %select_n3A_602 = arith.select %eq3A_600, %slice3A_601, %select_n3A_598 : vector<1x256xi32>
    %eq3A_603 = arith.constant 6 : i32
    %eq3A_604 = arith.cmpi eq, %select_n3A_216, %eq3A_603 : i32
    %slice3A_605 = vector.extract_strided_slice %get3A_553 {offsets = [6, 0], sizes = [1, 256], strides = [1, 1]} : vector<8x256xi32> to vector<1x256xi32>
    %select_n3A_606 = arith.select %eq3A_604, %slice3A_605, %select_n3A_602 : vector<1x256xi32>
    %eq3A_607 = arith.constant 7 : i32
    %eq3A_608 = arith.cmpi eq, %select_n3A_216, %eq3A_607 : i32
    %slice3A_609 = vector.extract_strided_slice %get3A_553 {offsets = [7, 0], sizes = [1, 256], strides = [1, 1]} : vector<8x256xi32> to vector<1x256xi32>
    %select_n3A_610 = arith.select %eq3A_608, %slice3A_609, %select_n3A_606 : vector<1x256xi32>
    %slice3A_611 = vector.extract_strided_slice %get3A_553 {offsets = [0, 0], sizes = [1, 256], strides = [1, 1]} : vector<8x256xi32> to vector<1x256xi32>
    %eq3A_612 = arith.constant 1 : i32
    %eq3A_613 = arith.cmpi eq, %select_n3A_270, %eq3A_612 : i32
    %slice3A_614 = vector.extract_strided_slice %get3A_553 {offsets = [1, 0], sizes = [1, 256], strides = [1, 1]} : vector<8x256xi32> to vector<1x256xi32>
    %select_n3A_615 = arith.select %eq3A_613, %slice3A_614, %slice3A_611 : vector<1x256xi32>
    %eq3A_616 = arith.constant 2 : i32
    %eq3A_617 = arith.cmpi eq, %select_n3A_270, %eq3A_616 : i32
    %slice3A_618 = vector.extract_strided_slice %get3A_553 {offsets = [2, 0], sizes = [1, 256], strides = [1, 1]} : vector<8x256xi32> to vector<1x256xi32>
    %select_n3A_619 = arith.select %eq3A_617, %slice3A_618, %select_n3A_615 : vector<1x256xi32>
    %eq3A_620 = arith.constant 3 : i32
    %eq3A_621 = arith.cmpi eq, %select_n3A_270, %eq3A_620 : i32
    %slice3A_622 = vector.extract_strided_slice %get3A_553 {offsets = [3, 0], sizes = [1, 256], strides = [1, 1]} : vector<8x256xi32> to vector<1x256xi32>
    %select_n3A_623 = arith.select %eq3A_621, %slice3A_622, %select_n3A_619 : vector<1x256xi32>
    %eq3A_624 = arith.constant 4 : i32
    %eq3A_625 = arith.cmpi eq, %select_n3A_270, %eq3A_624 : i32
    %slice3A_626 = vector.extract_strided_slice %get3A_553 {offsets = [4, 0], sizes = [1, 256], strides = [1, 1]} : vector<8x256xi32> to vector<1x256xi32>
    %select_n3A_627 = arith.select %eq3A_625, %slice3A_626, %select_n3A_623 : vector<1x256xi32>
    %eq3A_628 = arith.constant 5 : i32
    %eq3A_629 = arith.cmpi eq, %select_n3A_270, %eq3A_628 : i32
    %slice3A_630 = vector.extract_strided_slice %get3A_553 {offsets = [5, 0], sizes = [1, 256], strides = [1, 1]} : vector<8x256xi32> to vector<1x256xi32>
    %select_n3A_631 = arith.select %eq3A_629, %slice3A_630, %select_n3A_627 : vector<1x256xi32>
    %eq3A_632 = arith.constant 6 : i32
    %eq3A_633 = arith.cmpi eq, %select_n3A_270, %eq3A_632 : i32
    %slice3A_634 = vector.extract_strided_slice %get3A_553 {offsets = [6, 0], sizes = [1, 256], strides = [1, 1]} : vector<8x256xi32> to vector<1x256xi32>
    %select_n3A_635 = arith.select %eq3A_633, %slice3A_634, %select_n3A_631 : vector<1x256xi32>
    %eq3A_636 = arith.constant 7 : i32
    %eq3A_637 = arith.cmpi eq, %select_n3A_270, %eq3A_636 : i32
    %slice3A_638 = vector.extract_strided_slice %get3A_553 {offsets = [7, 0], sizes = [1, 256], strides = [1, 1]} : vector<8x256xi32> to vector<1x256xi32>
    %select_n3A_639 = arith.select %eq3A_637, %slice3A_638, %select_n3A_635 : vector<1x256xi32>
    %slice3A_640 = vector.extract_strided_slice %get3A_553 {offsets = [0, 0], sizes = [1, 256], strides = [1, 1]} : vector<8x256xi32> to vector<1x256xi32>
    %eq3A_641 = arith.constant 1 : i32
    %eq3A_642 = arith.cmpi eq, %select_n3A_324, %eq3A_641 : i32
    %slice3A_643 = vector.extract_strided_slice %get3A_553 {offsets = [1, 0], sizes = [1, 256], strides = [1, 1]} : vector<8x256xi32> to vector<1x256xi32>
    %select_n3A_644 = arith.select %eq3A_642, %slice3A_643, %slice3A_640 : vector<1x256xi32>
    %eq3A_645 = arith.constant 2 : i32
    %eq3A_646 = arith.cmpi eq, %select_n3A_324, %eq3A_645 : i32
    %slice3A_647 = vector.extract_strided_slice %get3A_553 {offsets = [2, 0], sizes = [1, 256], strides = [1, 1]} : vector<8x256xi32> to vector<1x256xi32>
    %select_n3A_648 = arith.select %eq3A_646, %slice3A_647, %select_n3A_644 : vector<1x256xi32>
    %eq3A_649 = arith.constant 3 : i32
    %eq3A_650 = arith.cmpi eq, %select_n3A_324, %eq3A_649 : i32
    %slice3A_651 = vector.extract_strided_slice %get3A_553 {offsets = [3, 0], sizes = [1, 256], strides = [1, 1]} : vector<8x256xi32> to vector<1x256xi32>
    %select_n3A_652 = arith.select %eq3A_650, %slice3A_651, %select_n3A_648 : vector<1x256xi32>
    %eq3A_653 = arith.constant 4 : i32
    %eq3A_654 = arith.cmpi eq, %select_n3A_324, %eq3A_653 : i32
    %slice3A_655 = vector.extract_strided_slice %get3A_553 {offsets = [4, 0], sizes = [1, 256], strides = [1, 1]} : vector<8x256xi32> to vector<1x256xi32>
    %select_n3A_656 = arith.select %eq3A_654, %slice3A_655, %select_n3A_652 : vector<1x256xi32>
    %eq3A_657 = arith.constant 5 : i32
    %eq3A_658 = arith.cmpi eq, %select_n3A_324, %eq3A_657 : i32
    %slice3A_659 = vector.extract_strided_slice %get3A_553 {offsets = [5, 0], sizes = [1, 256], strides = [1, 1]} : vector<8x256xi32> to vector<1x256xi32>
    %select_n3A_660 = arith.select %eq3A_658, %slice3A_659, %select_n3A_656 : vector<1x256xi32>
    %eq3A_661 = arith.constant 6 : i32
    %eq3A_662 = arith.cmpi eq, %select_n3A_324, %eq3A_661 : i32
    %slice3A_663 = vector.extract_strided_slice %get3A_553 {offsets = [6, 0], sizes = [1, 256], strides = [1, 1]} : vector<8x256xi32> to vector<1x256xi32>
    %select_n3A_664 = arith.select %eq3A_662, %slice3A_663, %select_n3A_660 : vector<1x256xi32>
    %eq3A_665 = arith.constant 7 : i32
    %eq3A_666 = arith.cmpi eq, %select_n3A_324, %eq3A_665 : i32
    %slice3A_667 = vector.extract_strided_slice %get3A_553 {offsets = [7, 0], sizes = [1, 256], strides = [1, 1]} : vector<8x256xi32> to vector<1x256xi32>
    %select_n3A_668 = arith.select %eq3A_666, %slice3A_667, %select_n3A_664 : vector<1x256xi32>
    %slice3A_669 = vector.extract_strided_slice %get3A_553 {offsets = [0, 0], sizes = [1, 256], strides = [1, 1]} : vector<8x256xi32> to vector<1x256xi32>
    %eq3A_670 = arith.constant 1 : i32
    %eq3A_671 = arith.cmpi eq, %select_n3A_378, %eq3A_670 : i32
    %slice3A_672 = vector.extract_strided_slice %get3A_553 {offsets = [1, 0], sizes = [1, 256], strides = [1, 1]} : vector<8x256xi32> to vector<1x256xi32>
    %select_n3A_673 = arith.select %eq3A_671, %slice3A_672, %slice3A_669 : vector<1x256xi32>
    %eq3A_674 = arith.constant 2 : i32
    %eq3A_675 = arith.cmpi eq, %select_n3A_378, %eq3A_674 : i32
    %slice3A_676 = vector.extract_strided_slice %get3A_553 {offsets = [2, 0], sizes = [1, 256], strides = [1, 1]} : vector<8x256xi32> to vector<1x256xi32>
    %select_n3A_677 = arith.select %eq3A_675, %slice3A_676, %select_n3A_673 : vector<1x256xi32>
    %eq3A_678 = arith.constant 3 : i32
    %eq3A_679 = arith.cmpi eq, %select_n3A_378, %eq3A_678 : i32
    %slice3A_680 = vector.extract_strided_slice %get3A_553 {offsets = [3, 0], sizes = [1, 256], strides = [1, 1]} : vector<8x256xi32> to vector<1x256xi32>
    %select_n3A_681 = arith.select %eq3A_679, %slice3A_680, %select_n3A_677 : vector<1x256xi32>
    %eq3A_682 = arith.constant 4 : i32
    %eq3A_683 = arith.cmpi eq, %select_n3A_378, %eq3A_682 : i32
    %slice3A_684 = vector.extract_strided_slice %get3A_553 {offsets = [4, 0], sizes = [1, 256], strides = [1, 1]} : vector<8x256xi32> to vector<1x256xi32>
    %select_n3A_685 = arith.select %eq3A_683, %slice3A_684, %select_n3A_681 : vector<1x256xi32>
    %eq3A_686 = arith.constant 5 : i32
    %eq3A_687 = arith.cmpi eq, %select_n3A_378, %eq3A_686 : i32
    %slice3A_688 = vector.extract_strided_slice %get3A_553 {offsets = [5, 0], sizes = [1, 256], strides = [1, 1]} : vector<8x256xi32> to vector<1x256xi32>
    %select_n3A_689 = arith.select %eq3A_687, %slice3A_688, %select_n3A_685 : vector<1x256xi32>
    %eq3A_690 = arith.constant 6 : i32
    %eq3A_691 = arith.cmpi eq, %select_n3A_378, %eq3A_690 : i32
    %slice3A_692 = vector.extract_strided_slice %get3A_553 {offsets = [6, 0], sizes = [1, 256], strides = [1, 1]} : vector<8x256xi32> to vector<1x256xi32>
    %select_n3A_693 = arith.select %eq3A_691, %slice3A_692, %select_n3A_689 : vector<1x256xi32>
    %eq3A_694 = arith.constant 7 : i32
    %eq3A_695 = arith.cmpi eq, %select_n3A_378, %eq3A_694 : i32
    %slice3A_696 = vector.extract_strided_slice %get3A_553 {offsets = [7, 0], sizes = [1, 256], strides = [1, 1]} : vector<8x256xi32> to vector<1x256xi32>
    %select_n3A_697 = arith.select %eq3A_695, %slice3A_696, %select_n3A_693 : vector<1x256xi32>
    %slice3A_698 = vector.extract_strided_slice %get3A_553 {offsets = [0, 0], sizes = [1, 256], strides = [1, 1]} : vector<8x256xi32> to vector<1x256xi32>
    %eq3A_699 = arith.constant 1 : i32
    %eq3A_700 = arith.cmpi eq, %select_n3A_432, %eq3A_699 : i32
    %slice3A_701 = vector.extract_strided_slice %get3A_553 {offsets = [1, 0], sizes = [1, 256], strides = [1, 1]} : vector<8x256xi32> to vector<1x256xi32>
    %select_n3A_702 = arith.select %eq3A_700, %slice3A_701, %slice3A_698 : vector<1x256xi32>
    %eq3A_703 = arith.constant 2 : i32
    %eq3A_704 = arith.cmpi eq, %select_n3A_432, %eq3A_703 : i32
    %slice3A_705 = vector.extract_strided_slice %get3A_553 {offsets = [2, 0], sizes = [1, 256], strides = [1, 1]} : vector<8x256xi32> to vector<1x256xi32>
    %select_n3A_706 = arith.select %eq3A_704, %slice3A_705, %select_n3A_702 : vector<1x256xi32>
    %eq3A_707 = arith.constant 3 : i32
    %eq3A_708 = arith.cmpi eq, %select_n3A_432, %eq3A_707 : i32
    %slice3A_709 = vector.extract_strided_slice %get3A_553 {offsets = [3, 0], sizes = [1, 256], strides = [1, 1]} : vector<8x256xi32> to vector<1x256xi32>
    %select_n3A_710 = arith.select %eq3A_708, %slice3A_709, %select_n3A_706 : vector<1x256xi32>
    %eq3A_711 = arith.constant 4 : i32
    %eq3A_712 = arith.cmpi eq, %select_n3A_432, %eq3A_711 : i32
    %slice3A_713 = vector.extract_strided_slice %get3A_553 {offsets = [4, 0], sizes = [1, 256], strides = [1, 1]} : vector<8x256xi32> to vector<1x256xi32>
    %select_n3A_714 = arith.select %eq3A_712, %slice3A_713, %select_n3A_710 : vector<1x256xi32>
    %eq3A_715 = arith.constant 5 : i32
    %eq3A_716 = arith.cmpi eq, %select_n3A_432, %eq3A_715 : i32
    %slice3A_717 = vector.extract_strided_slice %get3A_553 {offsets = [5, 0], sizes = [1, 256], strides = [1, 1]} : vector<8x256xi32> to vector<1x256xi32>
    %select_n3A_718 = arith.select %eq3A_716, %slice3A_717, %select_n3A_714 : vector<1x256xi32>
    %eq3A_719 = arith.constant 6 : i32
    %eq3A_720 = arith.cmpi eq, %select_n3A_432, %eq3A_719 : i32
    %slice3A_721 = vector.extract_strided_slice %get3A_553 {offsets = [6, 0], sizes = [1, 256], strides = [1, 1]} : vector<8x256xi32> to vector<1x256xi32>
    %select_n3A_722 = arith.select %eq3A_720, %slice3A_721, %select_n3A_718 : vector<1x256xi32>
    %eq3A_723 = arith.constant 7 : i32
    %eq3A_724 = arith.cmpi eq, %select_n3A_432, %eq3A_723 : i32
    %slice3A_725 = vector.extract_strided_slice %get3A_553 {offsets = [7, 0], sizes = [1, 256], strides = [1, 1]} : vector<8x256xi32> to vector<1x256xi32>
    %select_n3A_726 = arith.select %eq3A_724, %slice3A_725, %select_n3A_722 : vector<1x256xi32>
    %slice3A_727 = vector.extract_strided_slice %get3A_553 {offsets = [0, 0], sizes = [1, 256], strides = [1, 1]} : vector<8x256xi32> to vector<1x256xi32>
    %eq3A_728 = arith.constant 1 : i32
    %eq3A_729 = arith.cmpi eq, %select_n3A_486, %eq3A_728 : i32
    %slice3A_730 = vector.extract_strided_slice %get3A_553 {offsets = [1, 0], sizes = [1, 256], strides = [1, 1]} : vector<8x256xi32> to vector<1x256xi32>
    %select_n3A_731 = arith.select %eq3A_729, %slice3A_730, %slice3A_727 : vector<1x256xi32>
    %eq3A_732 = arith.constant 2 : i32
    %eq3A_733 = arith.cmpi eq, %select_n3A_486, %eq3A_732 : i32
    %slice3A_734 = vector.extract_strided_slice %get3A_553 {offsets = [2, 0], sizes = [1, 256], strides = [1, 1]} : vector<8x256xi32> to vector<1x256xi32>
    %select_n3A_735 = arith.select %eq3A_733, %slice3A_734, %select_n3A_731 : vector<1x256xi32>
    %eq3A_736 = arith.constant 3 : i32
    %eq3A_737 = arith.cmpi eq, %select_n3A_486, %eq3A_736 : i32
    %slice3A_738 = vector.extract_strided_slice %get3A_553 {offsets = [3, 0], sizes = [1, 256], strides = [1, 1]} : vector<8x256xi32> to vector<1x256xi32>
    %select_n3A_739 = arith.select %eq3A_737, %slice3A_738, %select_n3A_735 : vector<1x256xi32>
    %eq3A_740 = arith.constant 4 : i32
    %eq3A_741 = arith.cmpi eq, %select_n3A_486, %eq3A_740 : i32
    %slice3A_742 = vector.extract_strided_slice %get3A_553 {offsets = [4, 0], sizes = [1, 256], strides = [1, 1]} : vector<8x256xi32> to vector<1x256xi32>
    %select_n3A_743 = arith.select %eq3A_741, %slice3A_742, %select_n3A_739 : vector<1x256xi32>
    %eq3A_744 = arith.constant 5 : i32
    %eq3A_745 = arith.cmpi eq, %select_n3A_486, %eq3A_744 : i32
    %slice3A_746 = vector.extract_strided_slice %get3A_553 {offsets = [5, 0], sizes = [1, 256], strides = [1, 1]} : vector<8x256xi32> to vector<1x256xi32>
    %select_n3A_747 = arith.select %eq3A_745, %slice3A_746, %select_n3A_743 : vector<1x256xi32>
    %eq3A_748 = arith.constant 6 : i32
    %eq3A_749 = arith.cmpi eq, %select_n3A_486, %eq3A_748 : i32
    %slice3A_750 = vector.extract_strided_slice %get3A_553 {offsets = [6, 0], sizes = [1, 256], strides = [1, 1]} : vector<8x256xi32> to vector<1x256xi32>
    %select_n3A_751 = arith.select %eq3A_749, %slice3A_750, %select_n3A_747 : vector<1x256xi32>
    %eq3A_752 = arith.constant 7 : i32
    %eq3A_753 = arith.cmpi eq, %select_n3A_486, %eq3A_752 : i32
    %slice3A_754 = vector.extract_strided_slice %get3A_553 {offsets = [7, 0], sizes = [1, 256], strides = [1, 1]} : vector<8x256xi32> to vector<1x256xi32>
    %select_n3A_755 = arith.select %eq3A_753, %slice3A_754, %select_n3A_751 : vector<1x256xi32>
    %slice3A_756 = vector.extract_strided_slice %get3A_553 {offsets = [0, 0], sizes = [1, 256], strides = [1, 1]} : vector<8x256xi32> to vector<1x256xi32>
    %eq3A_757 = arith.constant 1 : i32
    %eq3A_758 = arith.cmpi eq, %select_n3A_540, %eq3A_757 : i32
    %slice3A_759 = vector.extract_strided_slice %get3A_553 {offsets = [1, 0], sizes = [1, 256], strides = [1, 1]} : vector<8x256xi32> to vector<1x256xi32>
    %select_n3A_760 = arith.select %eq3A_758, %slice3A_759, %slice3A_756 : vector<1x256xi32>
    %eq3A_761 = arith.constant 2 : i32
    %eq3A_762 = arith.cmpi eq, %select_n3A_540, %eq3A_761 : i32
    %slice3A_763 = vector.extract_strided_slice %get3A_553 {offsets = [2, 0], sizes = [1, 256], strides = [1, 1]} : vector<8x256xi32> to vector<1x256xi32>
    %select_n3A_764 = arith.select %eq3A_762, %slice3A_763, %select_n3A_760 : vector<1x256xi32>
    %eq3A_765 = arith.constant 3 : i32
    %eq3A_766 = arith.cmpi eq, %select_n3A_540, %eq3A_765 : i32
    %slice3A_767 = vector.extract_strided_slice %get3A_553 {offsets = [3, 0], sizes = [1, 256], strides = [1, 1]} : vector<8x256xi32> to vector<1x256xi32>
    %select_n3A_768 = arith.select %eq3A_766, %slice3A_767, %select_n3A_764 : vector<1x256xi32>
    %eq3A_769 = arith.constant 4 : i32
    %eq3A_770 = arith.cmpi eq, %select_n3A_540, %eq3A_769 : i32
    %slice3A_771 = vector.extract_strided_slice %get3A_553 {offsets = [4, 0], sizes = [1, 256], strides = [1, 1]} : vector<8x256xi32> to vector<1x256xi32>
    %select_n3A_772 = arith.select %eq3A_770, %slice3A_771, %select_n3A_768 : vector<1x256xi32>
    %eq3A_773 = arith.constant 5 : i32
    %eq3A_774 = arith.cmpi eq, %select_n3A_540, %eq3A_773 : i32
    %slice3A_775 = vector.extract_strided_slice %get3A_553 {offsets = [5, 0], sizes = [1, 256], strides = [1, 1]} : vector<8x256xi32> to vector<1x256xi32>
    %select_n3A_776 = arith.select %eq3A_774, %slice3A_775, %select_n3A_772 : vector<1x256xi32>
    %eq3A_777 = arith.constant 6 : i32
    %eq3A_778 = arith.cmpi eq, %select_n3A_540, %eq3A_777 : i32
    %slice3A_779 = vector.extract_strided_slice %get3A_553 {offsets = [6, 0], sizes = [1, 256], strides = [1, 1]} : vector<8x256xi32> to vector<1x256xi32>
    %select_n3A_780 = arith.select %eq3A_778, %slice3A_779, %select_n3A_776 : vector<1x256xi32>
    %eq3A_781 = arith.constant 7 : i32
    %eq3A_782 = arith.cmpi eq, %select_n3A_540, %eq3A_781 : i32
    %slice3A_783 = vector.extract_strided_slice %get3A_553 {offsets = [7, 0], sizes = [1, 256], strides = [1, 1]} : vector<8x256xi32> to vector<1x256xi32>
    %select_n3A_784 = arith.select %eq3A_782, %slice3A_783, %select_n3A_780 : vector<1x256xi32>
    %concatenate3A_785 = tpu.concatenate %select_n3A_581, %select_n3A_610, %select_n3A_639, %select_n3A_668, %select_n3A_697, %select_n3A_726, %select_n3A_755, %select_n3A_784 in 0 : vector<1x256xi32>, vector<1x256xi32>, vector<1x256xi32>, vector<1x256xi32>, vector<1x256xi32>, vector<1x256xi32>, vector<1x256xi32>, vector<1x256xi32> -> vector<8x256xi32>
    %reshape3A = vector.broadcast %reduce_sum3A_172 : i32 to vector<1x1xi32>
    %reshape3A_786 = vector.broadcast %reduce_sum3A_226 : i32 to vector<1x1xi32>
    %reshape3A_787 = vector.broadcast %reduce_sum3A_280 : i32 to vector<1x1xi32>
    %reshape3A_788 = vector.broadcast %reduce_sum3A_334 : i32 to vector<1x1xi32>
    %reshape3A_789 = vector.broadcast %reduce_sum3A_388 : i32 to vector<1x1xi32>
    %reshape3A_790 = vector.broadcast %reduce_sum3A_442 : i32 to vector<1x1xi32>
    %reshape3A_791 = vector.broadcast %reduce_sum3A_496 : i32 to vector<1x1xi32>
    %reshape3A_792 = vector.broadcast %reduce_sum3A_550 : i32 to vector<1x1xi32>
    %concatenate3A_793 = tpu.concatenate %reshape3A, %reshape3A_786, %reshape3A_787, %reshape3A_788, %reshape3A_789, %reshape3A_790, %reshape3A_791, %reshape3A_792 in 0 : vector<1x1xi32>, vector<1x1xi32>, vector<1x1xi32>, vector<1x1xi32>, vector<1x1xi32>, vector<1x1xi32>, vector<1x1xi32>, vector<1x1xi32> -> vector<8x1xi32>
    %iota3A_794 = tpu.iota {dimensions = array<i32: 1>} : vector<8x256xi32>
    %get3A_795 = arith.constant 0 : index
    %get3A_796 = memref.load %arg4[%get3A_795] : memref<1xi32, #tpu.memory_space<smem>>
    %lt3A = vector.broadcast %get3A_796 : i32 to vector<8x256xi32>
    %lt3A_797 = arith.cmpi slt, %iota3A_794, %lt3A : vector<8x256xi32>
    %select_n3A_798 = arith.select %lt3A_797, %concatenate3A_785, %get3A_553 : vector<8x256xi1>, vector<8x256xi32>
    %eq3A_799 = vector.broadcast %get3A_796 : i32 to vector<8x256xi32>
    %eq3A_800 = arith.cmpi eq, %iota3A_794, %eq3A_799 : vector<8x256xi32>
    %broadcast_in_dim3A_801 = vector.shape_cast %concatenate3A_793 : vector<8x1xi32> to vector<8x1xi32>
    %broadcast_in_dim3A_802 = vector.broadcast %broadcast_in_dim3A_801 : vector<8x1xi32> to vector<8x256xi32>
    %select_n3A_803 = arith.select %eq3A_800, %broadcast_in_dim3A_802, %select_n3A_798 : vector<8x256xi1>, vector<8x256xi32>
    %swap3A = arith.constant 0 : index
    %swap3A_804 = arith.constant 0 : index
    %swap3A_805 = vector.load %arg5[%swap3A, %swap3A_804] : memref<8x256xi32, #tpu.memory_space<vmem>>, vector<8x256xi32>
    tpu.vector_store %arg5[%swap3A, %swap3A_804], %select_n3A_803 {strides = array<i32>} : memref<8x256xi32, #tpu.memory_space<vmem>>, vector<8x256xi32>,
    %reshape3A_806 = vector.broadcast %reduce_max3A_135 : f32 to vector<1x1xf32>
    %reshape3A_807 = vector.broadcast %reduce_max3A_182 : f32 to vector<1x1xf32>
    %reshape3A_808 = vector.broadcast %reduce_max3A_236 : f32 to vector<1x1xf32>
    %reshape3A_809 = vector.broadcast %reduce_max3A_290 : f32 to vector<1x1xf32>
    %reshape3A_810 = vector.broadcast %reduce_max3A_344 : f32 to vector<1x1xf32>
    %reshape3A_811 = vector.broadcast %reduce_max3A_398 : f32 to vector<1x1xf32>
    %reshape3A_812 = vector.broadcast %reduce_max3A_452 : f32 to vector<1x1xf32>
    %reshape3A_813 = vector.broadcast %reduce_max3A_506 : f32 to vector<1x1xf32>
    %concatenate3A_814 = tpu.concatenate %reshape3A_806, %reshape3A_807, %reshape3A_808, %reshape3A_809, %reshape3A_810, %reshape3A_811, %reshape3A_812, %reshape3A_813 in 0 : vector<1x1xf32>, vector<1x1xf32>, vector<1x1xf32>, vector<1x1xf32>, vector<1x1xf32>, vector<1x1xf32>, vector<1x1xf32>, vector<1x1xf32> -> vector<8x1xf32>
    %swap3A_815 = arith.constant 0 : index
    %swap3A_816 = arith.constant 0 : index
    %swap3A_817 = vector.load %arg6[%swap3A_815, %swap3A_816] : memref<8x1xf32, #tpu.memory_space<vmem>>, vector<8x1xf32>
    tpu.vector_store %arg6[%swap3A_815, %swap3A_816], %concatenate3A_814 {strides = array<i32>} : memref<8x1xf32, #tpu.memory_space<vmem>>, vector<8x1xf32>,
    return
  }
}

</mosaic_0001>

<sc_bundles>
// kernel: kernel.4.cloned.1.call-start
scs
__scs_entry_jumppad:
0x0: {  	(pc) =	sbr.rel $0x88, $3  }
0x1: {  	(tag) =	ssettag $0x0;
	lr =	simm.s32 $0x1  }
0x2: {  	[smem:$0x3F9D] =	sst lr;
	_ =	strace $0xD0000000  }
0x3: {  	_ = 	snop  }
0x4: {  	_ = 	snop  }
0x5: {  	_ = 	snop  }
0x6: {  	_ = 	snop  }
0x7: {  	_ = 	snop  }
__scs_overlays_trampoline_lowered:
0x8: {  	[smem:$0x3FAC] =	sst s0  }
0x9: {  	[smem:$0x3FAD] =	sst s1  }
0xa: {  	[smem:$0x3FAE] =	sst s2  }
0xb: {  	[smem:$0x3FAF] =	sst s3  }
0xc: {  	[smem:$0x3FB0] =	sst s4  }
0xd: {  	[smem:$0x3FB1] =	sst s5  }
0xe: {  	[smem:$0x3FB2] =	sst s6  }
0xf: {  	[smem:$0x3FB3] =	sst s7  }
0x10: {  	[smem:$0x3FB4] =	sst s8  }
0x11: {  	[smem:$0x3FB5] =	sst s9;
	s0 =	simm.s32 @!p0 $0x0  }
0x12: {  	s1 =	sld [smem:$0x3F9B];
	s0 =	simm.s32 @p0 $0x1  }
0x13: {  	[smem:$0x3FB6] =	sst s0;
	s0 =	simm.s32 @!p1 $0x0  }
0x14: {  	s2 =	sld [smem:$0x3F9A];
	s0 =	simm.s32 @p1 $0x1  }
0x15: {  	[smem:$0x3FB7] =	sst s0;
	s0 =	simm.s32 @!p2 $0x0  }
0x16: {  	s3 =	sld [smem:$0x3FDB];
	s0 =	simm.s32 @p2 $0x1  }
0x17: {  	s4 =	simm.s32 $0x1BF5;
	[smem:$0x3FB9] =	sst s0  }
0x18: {  	s0 =	sld [smem:$0x3F9C];
	_ =	swait.ge [sflag:s4], $0x0  }
0x19: {  	s7 =	sld [smem:$0x3F9D]  }
0x1a: {  	s8 =	sadd.s32 $0xFFFFE003, lr  }
0x1b: {  	s9 =	sadd.s32 $0xFFFFFEF7, lr;
	s5 =	simm.s32 $0xFFFFFFFF;
	p2 =	slt.u32 s8, $0xFFFFF086  }
0x1c: {  	p1 =	slt.u32 s9, $0xF7A;
	s5 =	simm.s32 @!p2 $0x0  }
0x1d: {  	s5 =	simm.s32 @p1 $0x1;
	p0 =	seq.s32 s7, s2  }
0x1e: {  	s7 =	smul.u32 @!p0 $0xF7A, s2;
	p2 =	seq.s32 @!p0 s5, $0x0  }
0x1f: {  	s9 =	smul.u32 $0xF7A, s1;
	s8 =	simm.s32 @!p0 $0x1BF5;
	p2 =	por !p2, p0  }
0x20: {  	[sflag:s8] =	ssyncset.s32 @!p0 $0xFFFFF086;
	s6 =	sadd.s32 @!p0 s3, s7;
	s7 =	simm.s32 @!p0 $0x108  }
0x21: {  	s3 =	sadd.s32 s3, s9;
	s6 =	sadd.s32 @!p0 $0x88, s6;
	s7 =	simm.s32 @p2 $0x1082  }
0x22: {  	[simem:s7], [sflag:s8] =	dma.local @!p0 [hbm:s6], $0xF7A  }
0x23: {  	s9 =	sor.u32 $0xD0000000, s2;
	s6 =	simm.s32 $0x108;
	_ =	swait.ge @!p0 [sflag:s8], $0x0  }
0x24: {  	s3 =	sadd.s32 $0x88, s3;
	s6 =	simm.s32 @!p1 $0x1082;
	[sflag:s4] =	ssyncset.s32 $0xFFFFF086  }
0x25: {  	[simem:s6], [sflag:s4] =	dma.local [hbm:s3], $0xF7A  }
0x26: {  	[smem:$0x3F9D] =	sst s1;
	(tag) =	ssettag s2;
	_ =	strace s9  }
0x27: {  	s1 =	sld [smem:$0x3FAD]  }
0x28: {  	s2 =	sld [smem:$0x3FAE]  }
0x29: {  	s4 =	sld [smem:$0x3FB0]  }
0x2a: {  	p0 =	seq.s32 s5, $0x0;
	s5 =	sld [smem:$0x3FB1]  }
0x2b: {  	s6 =	sld [smem:$0x3FB2]  }
0x2c: {  	s7 =	sld [smem:$0x3FB3]  }
0x2d: {  	s3 =	simm.s32 $0x108;
	s8 =	sld [smem:$0x3FB4]  }
0x2e: {  	s3 =	simm.s32 @!p0 $0x1082;
	s9 =	sld [smem:$0x3FB5]  }
0x2f: {  	lr =	sadd.s32 s0, s3;
	s0 =	sld [smem:$0x3FAC]  }
0x30: {  	s3 =	sld [smem:$0x3FAF]  }
0x31: {  	[smem:$0x3FB8] =	sst s10  }
0x32: {  	s10 =	sld [smem:$0x3FB6];
	_ =	sdelay $0x3  }
0x33: {  	p0 =	seq.s32 s10, $0x1;
	s10 =	sld [smem:$0x3FB8];
	_ =	sdelay $0x3  }
0x34: {  	[smem:$0x3FB8] =	sst s10  }
0x35: {  	s10 =	sld [smem:$0x3FB7];
	_ =	sdelay $0x3  }
0x36: {  	p1 =	seq.s32 s10, $0x1;
	s10 =	sld [smem:$0x3FB8];
	_ =	sdelay $0x3  }
0x37: {  	[smem:$0x3FB8] =	sst s10  }
0x38: {  	s10 =	sld [smem:$0x3FB9]  }
0x39: {  	_ = 	snop;
	(pc) =	sbr.ind lr, $3  }
0x3a: {  	_ = 	snop  }
0x3b: {  	_ = 	snop  }
0x3c: {  	p2 =	seq.s32 s10, $0x1;
	s10 =	sld [smem:$0x3FB8]  }
0x3d: {  	_ =	shalt  }
0x3e: {  	_ =	shalt  }
0x3f: {  	_ =	shalt  }
0x40: {  	_ =	shalt  }
0x41: {  	_ =	shalt  }
0x42: {  	_ =	shalt  }
0x43: {  	_ =	shalt  }
0x44: {  	_ =	shalt  }
0x45: {  	_ =	shalt  }
0x46: {  	_ =	shalt  }
0x47: {  	_ =	shalt  }
0x48: {  	_ =	shalt  }
0x49: {  	_ =	shalt  }
0x4a: {  	_ =	shalt  }
0x4b: {  	_ =	shalt  }
0x4c: {  	_ =	shalt  }
0x4d: {  	_ =	shalt  }
0x4e: {  	_ =	shalt  }
0x4f: {  	_ =	shalt  }
0x50: {  	_ =	shalt  }
0x51: {  	_ =	shalt  }
0x52: {  	_ =	shalt  }
0x53: {  	_ =	shalt  }
0x54: {  	_ =	shalt  }
0x55: {  	_ =	shalt  }
0x56: {  	_ =	shalt  }
0x57: {  	_ =	shalt  }
0x58: {  	_ =	shalt  }
0x59: {  	_ =	shalt  }
0x5a: {  	_ =	shalt  }
0x5b: {  	_ =	shalt  }
0x5c: {  	_ =	shalt  }
0x5d: {  	_ =	shalt  }
0x5e: {  	_ =	shalt  }
0x5f: {  	_ =	shalt  }
0x60: {  	_ =	shalt  }
0x61: {  	_ =	shalt  }
0x62: {  	_ =	shalt  }
0x63: {  	_ =	shalt  }
0x64: {  	_ =	shalt  }
0x65: {  	_ =	shalt  }
0x66: {  	_ =	shalt  }
0x67: {  	_ =	shalt  }
0x68: {  	_ =	shalt  }
0x69: {  	_ =	shalt  }
0x6a: {  	_ =	shalt  }
0x6b: {  	_ =	shalt  }
0x6c: {  	_ =	shalt  }
0x6d: {  	_ =	shalt  }
0x6e: {  	_ =	shalt  }
0x6f: {  	_ =	shalt  }
0x70: {  	_ =	shalt  }
0x71: {  	_ =	shalt  }
0x72: {  	_ =	shalt  }
0x73: {  	_ =	shalt  }
0x74: {  	_ =	shalt  }
0x75: {  	_ =	shalt  }
0x76: {  	_ =	shalt  }
0x77: {  	_ =	shalt  }
0x78: {  	_ =	shalt  }
0x79: {  	_ =	shalt  }
0x7a: {  	_ =	shalt  }
0x7b: {  	_ =	shalt  }
0x7c: {  	_ =	shalt  }
0x7d: {  	_ =	shalt  }
0x7e: {  	_ =	shalt  }
0x7f: {  	_ =	shalt  }
0x80: {  	_ =	shalt  }
0x81: {  	_ =	shalt  }
0x82: {  	_ =	shalt  }
0x83: {  	_ =	shalt  }
0x84: {  	_ =	shalt  }
0x85: {  	_ =	shalt  }
0x86: {  	_ =	shalt  }
0x87: {  	_ =	shalt  }
.Lfunc_end0:
.L_simem_size_0:
called_computation_lowered:
.L_overlay_start_0:
0x88: {  	s2 =	sld [smem:$0x3FD9]  }
0x89: {  	s3 =	sld [smem:$0x3FFE];
	_ =	sdelay $0x1  }
0x8a: {  	s1 =	srdreg.scid  }
0x8b: {  	s0 =	sand.u32 $0x1, s1  }
0x8c: {  	s14 =	sshll.u32 s0, $0xA;
	s2 =	sadd.s32 s3, s2  }
0x8d: {  	s2 =	sadd.s32 s2, s14  }
0x8e: {  	[smem:$0x3FC4] =	sst s2  }
0x8f: {  	_ = 	snop  }
0x90: {  	s2 =	sld [smem:$0x3FD0];
	_ =	sdelay $0x2  }
0x91: {  	s15 =	simm.s32 $0xA;
	s4 =	simm.s32 $0x10  }
0x92: {  	[smem:s4], [sflag:s15] =	dma.local [hbm:s2], $0x1  }
0x93: {  	_ =	swait.eq [sflag:s15], $0x1  }
0x94: {  	[sflag:s15] =	ssyncset.done $0x0  }
0x95: {  	[sflag:s15] =	ssyncadd.s32 $0xFFFFFFFF  }
0x96: {  	s16 =	sld [smem:$0x10];
	(tm) =	ssettm $0x1  }
0x97: {  	s17 =	sld [smem:$0x3FFB];
	_ =	sdelay $0x3  }
0x98: {  	_ =	strace s17  }
0x99: {  	s3 =	sld [smem:$0x3FFC];
	_ =	sdelay $0x3  }
0x9a: {  	_ =	strace s3  }
0x9b: {  	s3 =	sld [smem:$0x3FFD];
	_ =	sdelay $0x3  }
0x9c: {  	_ =	strace s3  }
0x9d: {  	_ =	strace $0x8FFFFFFF  }
0x9e: {  	s18 =	sld [smem:$0x3FDB];
	_ =	sdelay $0x1  }
0x9f: {  	s19 =	simm.s32 $_scs_section_size  }
0xa0: {  	s5 =	simm.s32 $_size__tile_overlayer_lowered;
	s6 =	simm.s32 $_tile_overlayer_lowered  }
0xa1: {  	s22 =	simm.s32 $0x1BFF;
	s21 =	sshll.u32 s6, $0x1;
	s3 =	sadd.s32 s19, s18  }
0xa2: {  	s7 =	simm.s32 $0x0;
	s20 =	sshll.u32 s5, $0x1;
	s5 =	sadd.s32 s21, s3  }
0xa3: {  	[timem:s7], [sflag:s22] =	dma.local [hbm:s5], s20  }
0xa4: {  	_ =	swait.ge [sflag:s22], s20  }
0xa5: {  	s4 =	ssub.s32 $0x0, s20;
	[sflag:s22] =	ssyncset.done $0x0  }
0xa6: {  	[sflag:s22] =	ssyncadd.s32 s4;
	_ =	sdelay $0x1  }
0xa7: {  	s23 =	simm.s32 $0x1B8B  }
0xa8: {  	_ =	swait.ge [sflag:s23], $0x1  }
0xa9: {  	[sflag:s23] =	ssyncset.done $0x0  }
0xaa: {  	s25 =	simm.s32 $0x1B8E;
	s24 =	sld [smem:$0x3FFE];
	[sflag:s23] =	ssyncadd.s32 $0xFFFFFFFF  }
0xab: {  	s26 =	simm.s32 $execute0_lowered;
	[smem:$0x3FD2] =	sst s25  }
0xac: {  	s5 =	sshll.u32 s26, $0x1;
	_ =	strace $0x80000046;
	[dreg:$0x1] =	wrdreg $0xFFFFFFFF  }
0xad: {  	s28 =	simm.s32 $_size_execute0_lowered;
	s3 =	sadd.s32 s3, s5;
	[dreg:$0x0] =	wrdreg $0x0  }
0xae: {  	s5 =	sshll.u32 s28, $0x1;
	[dreg:$0x2] =	wrdreg s3  }
0xaf: {  	[dreg:$0x3] =	wrdreg s5  }
0xb0: {  	[dreg:$0x4] =	wrdreg $0xC0  }
0xb1: {  	_ =	task [dreg:s7], $0x5FFFF  }
0xb2: {  	[dreg:$0x1] =	wrdreg $0xFFFFFFFF  }
0xb3: {  	[dreg:$0x0] =	wrdreg $0x60  }
0xb4: {  	[dreg:$0x2] =	wrdreg s16  }
0xb5: {  	[dreg:$0x3] =	wrdreg s24  }
0xb6: {  	[dreg:$0x4] =	wrdreg $0x9  }
0xb7: {  	_ =	task.clear_ibuf [dreg:s7], $0x5FFFF;
	_ =	strace $0x90000046  }
0xb8: {  	s29 =	simm.s32 $0x9;
	_ =	strace $0x80000048  }
0xb9: {  	_ =	swait.ge [sflag:s29], $0x1  }
0xba: {  	[sflag:s29] =	ssyncadd.s32 $0xFFFFFFFF  }
0xbb: {  	_ =	strace $0x90000048  }
0xbc: {  	_ =	sfence  }
0xbd: {  	s30 =	sld [smem:$0x0];
	_ =	sdelay $0x2  }
0xbe: {  	s31 =	sshll.u32 s1, $0xD;
	s1 =	sshrl.u32 s1, $0x2  }
0xbf: {  	s3 =	sand.u32 $0x4000, s31;
	s1 =	sadd.s32 s1, s30  }
0xc0: {  	s0 =	sor.u32 s3, s0;
	s1 =	sshll.u32 s1, $0x11  }
0xc1: {  	s0 =	sor.u32 s1, s0  }
0xc2: {  	s0 =	sadd.s32 $0x8F2B, s0  }
0xc3: {  	[sflag:s0] =	ssyncadd.remote.s32 $0x1  }
0xc4: {  	_ =	sfence.sel $0xFFFF  }
0xc5: {  	[dreg:$0x0] =	wrdreg $0xFFFFFFFF;
	(pc) =	sbr.abs _section_cstart, $3  }
0xc6: {  	[dreg:$0x1] =	wrdreg $0xFFFFFFFF  }
0xc7: {  	_ =	task.clear_ibuf [dreg:s7], $0x2FFFF;
	_ =	strace $0x9FFFFFFF  }
0xc8: {  	(tm) =	ssettm $0x7FFFFFFF  }
0xc9: {  	_ =	shalt  }
tec
execute0_lowered:
.L_overlay_start_1:
0x0: {  	(tag) =	ssettag $0x1  }
0x1: {  	s3 =	rddreg [dreg:$0x0]  }
0x2: {  	s5 =	rddreg [dreg:$0x1]  }
0x3: {  	s0 =	rddreg [dreg:$0x2];
	s2 =	simm.s32 $0x0;
	s4 =	srdreg.scid  }
0x4: {  	s1 =	stileid.u32;
	[smem:$0x7FF] =	sst s2;
	s4 =	sand.u32 $0x1, s4  }
0x5: {  	v0 =	vimm.f32 $-Inf;
	s6 =	sshll.u32 s1, $0x2;
	s7 =	sshll.u32 s4, $0x1;
	s30 =	ssub.s32 $0x2, s4  }
0x6: {  	v1 =	vimm.s32 $0x7FFFFFFF;
	_ =	strace $0x80000047;
	[tilespmem:$0x0] =	vst v0;
	s6 =	sor.u32 s7, s6;
	s31 =	sshrl.u32 s30, $0x1  }
0x7: {  	[tilespmem:$0x10] =	vst v1;
	s4 =	sadd.s32 s3, s6;
	s5 =	sadd.s32 s6, s5;
	s6 =	ssub.s32 s30, s31  }
0x8: {  	[hbm4b:s4+s2] =	stream.linear.scatter [tilespmem:s2], [sflag:$0x1], $0x10, $0x38;
	[tilespmem:$0x20] =	vst v63  }
0x9: {  	s3 =	simm.s32 $0x1;
	s7 =	smax.u32 s6, $0x1  }
0xa: {  	_ =	swait.ge [sflag:s3], $0x10;
	p0 =	sne.s32 s7, $0x1  }
.Ltmp0:
0xb: {  	[sflag:s3] =	ssyncset.done $0x0;
	(pc) =	sbr.rel @!p0 .LBB2_2-.Ltmp0, $4  }
0xc: {  	s5 =	sadd.s32 $0xF4A00, s5;
	s6 =	simm.s32 $0x10;
	[sflag:s3] =	ssyncadd.s32 $0xFFFFFFF0  }
0xd: {  	[hbm4b:s5+s2] =	stream.linear.scatter [tilespmem:s6], [sflag:$0x1], $0x10, $0x38;
	[tilespmem:$0x20] =	vst v63  }
0xe: {  	_ =	swait.ge [sflag:s3], $0x10  }
0xf: {  	s7 =	sadd.s32 $0xFFFFFFFF, s7;
	[sflag:s3] =	ssyncset.done $0x0  }
.LBB2_1:
0x10: {  	p0 =	sne.s32 s7, $0x1;
	s7 =	sadd.s32 $0xFFFFFFFF, s7;
	[sflag:s3] =	ssyncadd.s32 $0xFFFFFFF0  }
0x11: {  	[tilespmem:$0x0] =	vst v0  }
0x12: {  	[tilespmem:$0x10] =	vst v1  }
0x13: {  	[hbm4b:s4+s2] =	stream.linear.scatter [tilespmem:s2], [sflag:$0x1], $0x10, $0x38;
	[tilespmem:$0x20] =	vst v63  }
0x14: {  	_ =	swait.ge [sflag:s3], $0x10  }
.Ltmp1:
0x15: {  	[sflag:s3] =	ssyncset.done $0x0;
	(pc) =	sbr.rel @p0 .LBB2_1-.Ltmp1, $4  }
0x16: {  	[sflag:s3] =	ssyncadd.s32 $0xFFFFFFF0  }
0x17: {  	[hbm4b:s5+s2] =	stream.linear.scatter [tilespmem:s6], [sflag:$0x1], $0x10, $0x38;
	[tilespmem:$0x20] =	vst v63  }
0x18: {  	_ =	swait.ge [sflag:s3], $0x10  }
0x19: {  	[sflag:s3] =	ssyncset.done $0x0  }
.LBB2_2:
0x1a: {  	[sflag:s3] =	ssyncadd.s32 $0xFFFFFFF0  }
0x1b: {  	_ =	sfence.sel $0x180000  }
0x1c: {  	[bflag:$0x0] =	sbarrier.arrive $0xFFFF  }
0x1d: {  	p0 =	sne.s32 s1, $0x0;
	_ =	strace $0x90000047  }
0x1e: {  	s0 =	sadd.s32 @!p0 $0x100000, s0;
	[bflag:$0x2] =	sbarrier.arrive $0xFFFF  }
0x1f: {  	[sflag:s0] =	ssyncadd.tile.s32 @!p0 $0x1;
	_ =	shalt  }
.Lfunc_end2:
_tile_overlayer_lowered:
.L_overlay_start_2:
0x20: {  	(tag) =	ssettag $0x2  }
0x21: {  	s0 =	rddreg [dreg:$0x0];
	s2 =	stileid.u32  }
0x22: {  	s1 =	rddreg [dreg:$0x1];
	p0 =	sne.s32 s2, $0x0  }
0x23: {  	s3 =	rddreg [dreg:$0x2];
	[bflag:$0x3] =	sbarrier.arrive $0xFFFF;
	s2 =	simm.s32 @!p0 $0x1C01  }
0x24: {  	[timem:s3], [sflag:s2] =	dma.local @!p0 [hbm:s0], s1  }
0x25: {  	s0 =	simm.s32 @!p0 $0x1  }
0x26: {  	_ =	swait.ge @!p0 [sflag:s0], s1  }
0x27: {  	s1 =	ssub.s32 @!p0 $0x0, s1;
	[sflag:s0] =	ssyncset.done @!p0 $0x0  }
0x28: {  	[sflag:s0] =	ssyncadd.s32 @!p0 s1  }
0x29: {  	[bflag:$0x3] =	sbarrier.arrive $0xFFFF  }
0x2a: {  	_ =	shalt  }

</sc_bundles>
